<compile_context>
chip_gen: v7x
topology: tpu7x:2x2x1
jax: 0.10.2.dev20260603
libtpu: 0.0.44.dev20260713+nightly
codegen_flags: <defaults>
</compile_context>

<pallas_src>
import functools

import jax
import jax.numpy as jnp
from jax import lax
from jax.experimental import pallas as pl
from jax.experimental.pallas import tpu as pltpu
from jax.experimental.pallas import tpu_sc as plsc

B = 8
N = 10000
F_IN = 2
F_OUT = 32
PERIODS = 12
HORIZON = 12
E = 160000

C = F_IN * PERIODS * B
HC = C // 2
NP = 10240
EP = 163840
NCORES = 2
NSUB = 16
NW = NCORES * NSUB
EW = EP // NW
K = 128
NCHUNK = EW // K
RPT = NP // NSUB


def _deg_body(dst_hbm, out_hbm, dstv, ones, acc):
    c = lax.axis_index("c")
    s = lax.axis_index("s")
    wid = c * NSUB + s

    one16 = jnp.full((16,), 1.0, jnp.float32)

    def fill(i, carry):
        ones[i, :] = one16
        return carry

    lax.fori_loop(0, K, fill, 0)
    zero16 = jnp.zeros((16,), jnp.float32)

    def zfill(i, carry):
        ones[i, :] = zero16
        return carry

    lax.fori_loop(0, K, zfill, 0)
    for r in range(RPT // K):
        pltpu.sync_copy(ones, acc.at[pl.ds(s * RPT + r * K, K)])
    lax.fori_loop(0, K, fill, 0)
    plsc.subcore_barrier()

    def step(j, carry):
        base = wid * EW + j * K
        pltpu.sync_copy(dst_hbm.at[pl.ds(base, K)], dstv)
        pltpu.sync_copy(ones, acc.at[dstv], add=True)
        return carry

    lax.fori_loop(0, NCHUNK, step, 0)
    plsc.subcore_barrier()
    pltpu.sync_copy(acc.at[pl.ds(s * RPT, RPT)], out_hbm.at[c, pl.ds(s * RPT, RPT)])


def _deg_call(dst):
    fn = pl.kernel(
        _deg_body,
        out_type=jax.ShapeDtypeStruct((NCORES, NP, 16), jnp.float32),
        mesh=plsc.VectorSubcoreMesh(core_axis_name="c", subcore_axis_name="s"),
        scratch_types=[
            pltpu.VMEM((K,), jnp.int32),
            pltpu.VMEM((K, 16), jnp.float32),
            pltpu.VMEM_SHARED((NP, 16), jnp.float32),
        ],
        compiler_params=pltpu.CompilerParams(use_tc_tiling_on_sc=False),
    )
    return fn(dst)


def _make_spmv_body(W):
    def _spmv_body(xs_hbm, src_hbm, dst_hbm, out_hbm, srcv, dstv, buf, acc,
                   sem):
        c = lax.axis_index("c")
        s = lax.axis_index("s")
        wid = c * NSUB + s

        zero16 = jnp.zeros((16,), jnp.float32)

        def zfill(i, carry):
            for k in range(W // 16):
                buf[i, k * 16:(k + 1) * 16] = zero16
            return carry

        lax.fori_loop(0, K, zfill, 0)
        for r in range(RPT // K):
            pltpu.sync_copy(buf, acc.at[pl.ds(s * RPT + r * K, K)])
        plsc.subcore_barrier()

        def step(j, carry):
            base = wid * EW + j * K
            pltpu.sync_copy(src_hbm.at[pl.ds(base, K)], srcv)
            pltpu.sync_copy(dst_hbm.at[pl.ds(base, K)], dstv)
            pltpu.async_copy(xs_hbm.at[srcv], buf, sem).wait()
            pltpu.sync_copy(buf, acc.at[dstv], add=True)
            return carry

        lax.fori_loop(0, NCHUNK, step, 0)
        plsc.subcore_barrier()
        pltpu.sync_copy(acc.at[pl.ds(s * RPT, RPT)],
                        out_hbm.at[c, pl.ds(s * RPT, RPT)])

    return _spmv_body


def _spmv_call(xs, src, dst, W):
    fn = pl.kernel(
        _make_spmv_body(W),
        out_type=jax.ShapeDtypeStruct((NCORES, NP, W), jnp.float32),
        mesh=plsc.VectorSubcoreMesh(core_axis_name="c", subcore_axis_name="s"),
        scratch_types=[
            pltpu.VMEM((K,), jnp.int32),
            pltpu.VMEM((K,), jnp.int32),
            pltpu.VMEM((K, W), jnp.float32),
            pltpu.VMEM_SHARED((NP, W), jnp.float32),
            pltpu.SemaphoreType.DMA,
        ],
        compiler_params=pltpu.CompilerParams(use_tc_tiling_on_sc=False),
    )
    return fn(xs, src, dst)


_NB_SCALE = 2048


def _scale_body(da_ref, db_ref, x_ref, xs0_ref, xs1_ref):
    deg = da_ref[:, 0:1] + db_ref[:, 0:1] + 1.0
    dis = lax.rsqrt(deg)
    xs = x_ref[:, :] * dis
    xs0_ref[:, :] = xs[:, :HC]
    xs1_ref[:, :] = xs[:, HC:]


def _scale_call(dega, degb, x):
    grid = NP // _NB_SCALE
    return pl.pallas_call(
        _scale_body,
        grid=(grid,),
        in_specs=[
            pl.BlockSpec((_NB_SCALE, 16), lambda i: (i, 0)),
            pl.BlockSpec((_NB_SCALE, 16), lambda i: (i, 0)),
            pl.BlockSpec((_NB_SCALE, C), lambda i: (i, 0)),
        ],
        out_specs=[
            pl.BlockSpec((_NB_SCALE, HC), lambda i: (i, 0)),
            pl.BlockSpec((_NB_SCALE, HC), lambda i: (i, 0)),
        ],
        out_shape=[
            jax.ShapeDtypeStruct((NP, HC), jnp.float32),
            jax.ShapeDtypeStruct((NP, HC), jnp.float32),
        ],
    )(dega, degb, x)


_NB_DENSE = 1024


def _dense_body(pa0_ref, pb0_ref, xs0_ref, pa1_ref, pb1_ref, xs1_ref,
                da_ref, db_ref, m16_ref, b16_ref,
                lin_ref, linb_ref, att_ref, out_ref):
    deg = da_ref[:, 0:1] + db_ref[:, 0:1] + 1.0
    dis = lax.rsqrt(deg)
    ax0 = (pa0_ref[:, :] + pb0_ref[:, :] + xs0_ref[:, :]) * dis
    ax1 = (pa1_ref[:, :] + pb1_ref[:, :] + xs1_ref[:, :]) * dis

    a = [att_ref[0, i] for i in range(PERIODS)]
    m = a[0]
    for i in range(1, PERIODS):
        m = jnp.maximum(m, a[i])
    e = [jnp.exp(v - m) for v in a]
    ssum = e[0]
    for i in range(1, PERIODS):
        ssum = ssum + e[i]
    pr = [v / ssum for v in e]

    m16 = m16_ref[:, :]
    b16 = b16_ref[:, :]
    h = jnp.zeros((ax0.shape[0], 256), jnp.float32)
    for p in range(PERIODS):
        axp = jnp.concatenate(
            [ax0[:, p * 8:(p + 1) * 8], ax1[:, p * 8:(p + 1) * 8]],
            axis=1)
        g = jnp.dot(axp, m16, preferred_element_type=jnp.float32) + b16
        z = 1.0 / (1.0 + jnp.exp(-g[:, :256]))
        t = jnp.tanh(g[:, 256:])
        h = h + pr[p] * ((1.0 - z) * t)
    y = jnp.dot(jnp.maximum(h, 0.0), lin_ref[:, :],
                preferred_element_type=jnp.float32) + linb_ref[:, :]
    out_ref[:, :] = y


def _dense_call(pa0, pb0, xs0, pa1, pb1, xs1, dega, degb,
                m16, b16, biglin, linb96, att2):
    grid = NP // _NB_DENSE
    return pl.pallas_call(
        _dense_body,
        grid=(grid,),
        in_specs=[
            pl.BlockSpec((_NB_DENSE, HC), lambda i: (i, 0)),
            pl.BlockSpec((_NB_DENSE, HC), lambda i: (i, 0)),
            pl.BlockSpec((_NB_DENSE, HC), lambda i: (i, 0)),
            pl.BlockSpec((_NB_DENSE, HC), lambda i: (i, 0)),
            pl.BlockSpec((_NB_DENSE, HC), lambda i: (i, 0)),
            pl.BlockSpec((_NB_DENSE, HC), lambda i: (i, 0)),
            pl.BlockSpec((_NB_DENSE, 16), lambda i: (i, 0)),
            pl.BlockSpec((_NB_DENSE, 16), lambda i: (i, 0)),
            pl.BlockSpec((16, 512), lambda i: (0, 0)),
            pl.BlockSpec((1, 512), lambda i: (0, 0)),
            pl.BlockSpec((256, 96), lambda i: (0, 0)),
            pl.BlockSpec((1, 96), lambda i: (0, 0)),
            pl.BlockSpec((1, PERIODS), lambda i: (0, 0),
                         memory_space=pltpu.SMEM),
        ],
        out_specs=pl.BlockSpec((_NB_DENSE, 96), lambda i: (i, 0)),
        out_shape=jax.ShapeDtypeStruct((NP, 96), jnp.float32),
    )(pa0, pb0, xs0, pa1, pb1, xs1, dega, degb,
      m16, b16, biglin, linb96, att2)


def kernel(x, edge_index, Wz, bz, Wr, br, Wh, bh, lzW, lzb, lrW, lrb,
           lhW, lhb, att, linW, linb):
    X = jnp.transpose(x, (1, 2, 3, 0)).reshape(N, C)
    X = jnp.pad(X, ((0, NP - N), (0, 0)))
    pad_idx = jnp.full((EP - E,), NP - 1, jnp.int32)
    src = jnp.concatenate([edge_index[0], pad_idx])
    dst = jnp.concatenate([edge_index[1], pad_idx])

    eye8 = jnp.eye(8, dtype=jnp.float32)
    Mz = Wz @ lzW[:F_OUT]
    cz = bz @ lzW[:F_OUT] + lzb
    Mh = Wh @ lhW[:F_OUT]
    ch = bh @ lhW[:F_OUT] + lhb
    m16_z = jnp.einsum('fo,bc->fbco', Mz, eye8).reshape(16, 256)
    m16_h = jnp.einsum('fo,bc->fbco', Mh, eye8).reshape(16, 256)
    m16 = jnp.concatenate([m16_z, m16_h], axis=1)
    b16 = jnp.concatenate([jnp.tile(cz, 8), jnp.tile(ch, 8)])[None]
    biglin = jnp.einsum('oh,bc->boch', linW, eye8).reshape(256, 96)
    linb96 = jnp.tile(linb, 8)[None]
    att2 = att[None]

    degs = _deg_call(dst)
    dega, degb = degs[0], degs[1]
    xs0, xs1 = _scale_call(dega, degb, X)
    parts0 = _spmv_call(xs0, src, dst, HC)
    parts1 = _spmv_call(xs1, src, dst, HC)
    y = _dense_call(parts0[0], parts0[1], xs0, parts1[0], parts1[1], xs1,
                    dega, degb, m16, b16, biglin, linb96, att2)
    return jnp.transpose(y[:N].reshape(N, B, HORIZON), (1, 0, 2))

# --- scband reference (transcript-rebuilt; emitter-appended) ---
"""Pipeline reference for scband-temporal-gnn-81183471829636 (READ-ONLY COPY).

The authoritative reference and input builder live on the scoring server;
editing this copy changes nothing except your own understanding.
"""

import jax, jax.numpy as jnp
import numpy as np

B = 8
N = 10000
F_IN = 2
F_OUT = 32
PERIODS = 12
HORIZON = 12
E = 160000


def setup_inputs(seed: int = 0) -> dict:
    key = jax.random.key(seed)
    ks = jax.random.split(key, 24)
    inp = {}
    inp["x"] = jax.random.normal(ks[0], (B, N, F_IN, PERIODS), dtype=jnp.float32)
    inp["edge_index"] = jax.random.randint(ks[1], (2, E), 0, N, dtype=jnp.int32)

    def w(k, shape):
        return jax.random.normal(k, shape, dtype=jnp.float32) * 0.1

    # GCNConv weights (stored as [in, out]) and biases for the 3 gates (z, r, h)
    inp["Wz"] = w(ks[2], (F_IN, F_OUT)); inp["bz"] = jnp.zeros((F_OUT,), jnp.float32)
    inp["Wr"] = w(ks[3], (F_IN, F_OUT)); inp["br"] = jnp.zeros((F_OUT,), jnp.float32)
    inp["Wh"] = w(ks[4], (F_IN, F_OUT)); inp["bh"] = jnp.zeros((F_OUT,), jnp.float32)
    # gate linear layers: Linear(2*F_OUT, F_OUT)
    inp["lzW"] = w(ks[5], (2 * F_OUT, F_OUT)); inp["lzb"] = w(ks[6], (F_OUT,))
    inp["lrW"] = w(ks[7], (2 * F_OUT, F_OUT)); inp["lrb"] = w(ks[8], (F_OUT,))
    inp["lhW"] = w(ks[9], (2 * F_OUT, F_OUT)); inp["lhb"] = w(ks[10], (F_OUT,))
    # A3TGCN temporal attention over periods
    inp["att"] = jax.random.uniform(ks[11], (PERIODS,), dtype=jnp.float32)
    # final readout Linear(32, horizon)
    inp["linW"] = w(ks[12], (F_OUT, HORIZON)); inp["linb"] = w(ks[13], (HORIZON,))
    return inp


def _gcn_norm(edge_index, n):
    # add self loops + symmetric GCN normalization (PyG gcn_norm)
    loop = jnp.arange(n, dtype=edge_index.dtype)
    src = jnp.concatenate([edge_index[0], loop])
    dst = jnp.concatenate([edge_index[1], loop])
    ew = jnp.ones(src.shape[0], dtype=jnp.float32)
    deg = jnp.zeros((n,), jnp.float32).at[dst].add(ew)
    dis = jnp.where(deg > 0, 1.0 / jnp.sqrt(deg), 0.0)
    norm = dis[src] * ew * dis[dst]
    return src, dst, norm


def _gcn_conv(x, W, b, src, dst, norm, n):
    # x: [B, N, Fin] -> [B, N, Fout]; gather on src, scatter-add on dst (node_dim=-2)
    xw = x @ W
    msgs = xw[:, src, :] * norm[None, :, None]
    out = jnp.zeros((x.shape[0], n, W.shape[1]), x.dtype).at[:, dst, :].add(msgs)
    return out + b


def reference(x, edge_index, Wz, bz, Wr, br, Wh, bh, lzW, lzb, lrW, lrb, lhW, lhb, att, linW, linb):
    src, dst, norm = _gcn_norm(edge_index, N)
    probs = jax.nn.softmax(att)
    H0 = jnp.zeros((B, N, F_OUT), jnp.float32)  # A3TGCN2 does not carry H across periods
    H_accum = jnp.zeros((B, N, F_OUT), jnp.float32)
    for p in range(PERIODS):
        Xp = x[:, :, :, p]
        Z = jax.nn.sigmoid(
            jnp.concatenate([_gcn_conv(Xp, Wz, bz, src, dst, norm, N), H0], axis=2) @ lzW + lzb)
        R = jax.nn.sigmoid(
            jnp.concatenate([_gcn_conv(Xp, Wr, br, src, dst, norm, N), H0], axis=2) @ lrW + lrb)
        H_tilde = jnp.tanh(
            jnp.concatenate([_gcn_conv(Xp, Wh, bh, src, dst, norm, N), H0 * R], axis=2) @ lhW + lhb)
        Hp = Z * H0 + (1.0 - Z) * H_tilde
        H_accum = H_accum + probs[p] * Hp
    h = jax.nn.relu(H_accum)
    return h @ linW + linb

if __name__ == "__main__":
    import jax
    _d = setup_inputs()
    print(jax.jit(kernel)(*tuple(_d.values())))

</pallas_src>

<mosaic_0001>
#map = affine_map<(d0, d1) -> (0)>
#map1 = affine_map<(d0, d1) -> (0, 0, 0)>
module attributes {stable_mosaic.version = 14 : i64} {
  func.func @_deg_body(%arg0: i32, %arg1: i32, %arg2: memref<163840xi32, #tpu.memory_space<hbm>>, %arg3: memref<2x10240x16xf32, #tpu.memory_space<hbm>>, %arg4: memref<128xi32, #tpu.memory_space<vmem>>, %arg5: memref<128x16xf32, #tpu.memory_space<vmem>>, %arg6: memref<10240x16xf32, #tpu.memory_space<vmem_shared>>) attributes {dimension_semantics = [#tpu.dimension_semantics<core_parallel>, #tpu.dimension_semantics<subcore_parallel>], iteration_bounds = array<i64: 2, 16>, scalar_prefetch = 0 : i64, scratch_operands = 3 : i64, tpu.core_type = #tpu.core_type<sc_vector_subcore>, window_params = [{transform_indices = #map}, {transform_indices = #map1}]} {
    %mul3A = arith.constant 16 : i32
    %mul3A_0 = arith.muli %arg0, %mul3A : i32
    %add3A = arith.addi %mul3A_0, %arg1 : i32
    %broadcast_in_dim3A = arith.constant 1.000000e+00 : f32
    %broadcast_in_dim3A_1 = vector.broadcast %broadcast_in_dim3A : f32 to vector<16xf32>
    %scan3A = arith.constant 0 : i32
    %scan3A_2 = arith.constant 0 : i32
    %scan3A_3 = arith.constant 128 : i32
    %scan3A_4 = arith.addi %scan3A_2, %scan3A_3 : i32
    %scan3A_5 = arith.constant 1 : i32
    scf.for %scan3A_52 = %scan3A_2 to %scan3A_4 step %scan3A_5  : i32 {
      %swap3A = arith.index_cast %scan3A_52 : i32 to index
      %swap3A_53 = arith.constant 0 : index
      %swap3A_54 = tpu.vector_load %arg5[%swap3A, %swap3A_53] {strides = array<i32>} : memref<128x16xf32, #tpu.memory_space<vmem>>, vector<1x16xf32>,
      %swap3A_55 = vector.shape_cast %swap3A_54 : vector<1x16xf32> to vector<16xf32>
      %swap3A_56 = vector.shape_cast %broadcast_in_dim3A_1 : vector<16xf32> to vector<1x16xf32>
      tpu.vector_store %arg5[%swap3A, %swap3A_53], %swap3A_56 {strides = array<i32>} : memref<128x16xf32, #tpu.memory_space<vmem>>, vector<1x16xf32>,
    }
    %scan3A_6 = arith.constant 128 : i32
    %broadcast_in_dim3A_7 = arith.constant 0.000000e+00 : f32
    %broadcast_in_dim3A_8 = vector.broadcast %broadcast_in_dim3A_7 : f32 to vector<16xf32>
    %scan3A_9 = arith.constant 0 : i32
    %scan3A_10 = arith.constant 0 : i32
    %scan3A_11 = arith.constant 128 : i32
    %scan3A_12 = arith.addi %scan3A_10, %scan3A_11 : i32
    %scan3A_13 = arith.constant 1 : i32
    scf.for %scan3A_52 = %scan3A_10 to %scan3A_12 step %scan3A_13  : i32 {
      %swap3A = arith.index_cast %scan3A_52 : i32 to index
      %swap3A_53 = arith.constant 0 : index
      %swap3A_54 = tpu.vector_load %arg5[%swap3A, %swap3A_53] {strides = array<i32>} : memref<128x16xf32, #tpu.memory_space<vmem>>, vector<1x16xf32>,
      %swap3A_55 = vector.shape_cast %swap3A_54 : vector<1x16xf32> to vector<16xf32>
      %swap3A_56 = vector.shape_cast %broadcast_in_dim3A_8 : vector<16xf32> to vector<1x16xf32>
      tpu.vector_store %arg5[%swap3A, %swap3A_53], %swap3A_56 {strides = array<i32>} : memref<128x16xf32, #tpu.memory_space<vmem>>, vector<1x16xf32>,
    }
    %scan3A_14 = arith.constant 128 : i32
    %mul3A_15 = arith.constant 640 : i32
    %mul3A_16 = arith.muli %arg1, %mul3A_15 : i32
    %add3A_17 = arith.constant 0 : i32
    %add3A_18 = arith.addi %mul3A_16, %add3A_17 : i32
    "tpu.region"() ({
      %run_scoped3A = tpu.sem_alloc : memref<!tpu.dma_semaphore, #tpu.memory_space<semaphore_mem>>
      %dma_start3A = arith.constant 0 : i32
      %dma_start3A_52 = tpu.memref_slice %arg6[%add3A_18, %dma_start3A] : memref<10240x16xf32, #tpu.memory_space<vmem_shared>> -> memref<128x16xf32, #tpu.memory_space<vmem_shared>>
      %dma_start3A_53 = arith.constant 0 : i32
      %dma_start3A_54 = tpu.memref_slice %arg6[%add3A_18, %dma_start3A_53] : memref<10240x16xf32, #tpu.memory_space<vmem_shared>> -> memref<128x16xf32, #tpu.memory_space<vmem_shared>>
      tpu.enqueue_dma source(%arg5 : memref<128x16xf32, #tpu.memory_space<vmem>>) target(%dma_start3A_54 : memref<128x16xf32, #tpu.memory_space<vmem_shared>>) target_semaphore(%run_scoped3A : memref<!tpu.dma_semaphore, #tpu.memory_space<semaphore_mem>>)
      %dma_wait3A = arith.constant 0 : i32
      %dma_wait3A_55 = tpu.memref_slice %arg6[%add3A_18, %dma_wait3A] : memref<10240x16xf32, #tpu.memory_space<vmem_shared>> -> memref<128x16xf32, #tpu.memory_space<vmem_shared>>
      %dma_wait3A_56 = arith.constant 0 : i32
      %dma_wait3A_57 = tpu.memref_slice %arg6[%add3A_18, %dma_wait3A_56] : memref<10240x16xf32, #tpu.memory_space<vmem_shared>> -> memref<128x16xf32, #tpu.memory_space<vmem_shared>>
      tpu.wait_dma2 semaphore(%run_scoped3A : memref<!tpu.dma_semaphore, #tpu.memory_space<semaphore_mem>>) src(%arg5 : memref<128x16xf32, #tpu.memory_space<vmem>>) dst(%dma_wait3A_57 : memref<128x16xf32, #tpu.memory_space<vmem_shared>>)
      tpu.yield
    }) : () -> ()
    %mul3A_19 = arith.constant 640 : i32
    %mul3A_20 = arith.muli %arg1, %mul3A_19 : i32
    %add3A_21 = arith.constant 128 : i32
    %add3A_22 = arith.addi %mul3A_20, %add3A_21 : i32
    "tpu.region"() ({
      %run_scoped3A = tpu.sem_alloc : memref<!tpu.dma_semaphore, #tpu.memory_space<semaphore_mem>>
      %dma_start3A = arith.constant 0 : i32
      %dma_start3A_52 = tpu.memref_slice %arg6[%add3A_22, %dma_start3A] : memref<10240x16xf32, #tpu.memory_space<vmem_shared>> -> memref<128x16xf32, #tpu.memory_space<vmem_shared>>
      %dma_start3A_53 = arith.constant 0 : i32
      %dma_start3A_54 = tpu.memref_slice %arg6[%add3A_22, %dma_start3A_53] : memref<10240x16xf32, #tpu.memory_space<vmem_shared>> -> memref<128x16xf32, #tpu.memory_space<vmem_shared>>
      tpu.enqueue_dma source(%arg5 : memref<128x16xf32, #tpu.memory_space<vmem>>) target(%dma_start3A_54 : memref<128x16xf32, #tpu.memory_space<vmem_shared>>) target_semaphore(%run_scoped3A : memref<!tpu.dma_semaphore, #tpu.memory_space<semaphore_mem>>)
      %dma_wait3A = arith.constant 0 : i32
      %dma_wait3A_55 = tpu.memref_slice %arg6[%add3A_22, %dma_wait3A] : memref<10240x16xf32, #tpu.memory_space<vmem_shared>> -> memref<128x16xf32, #tpu.memory_space<vmem_shared>>
      %dma_wait3A_56 = arith.constant 0 : i32
      %dma_wait3A_57 = tpu.memref_slice %arg6[%add3A_22, %dma_wait3A_56] : memref<10240x16xf32, #tpu.memory_space<vmem_shared>> -> memref<128x16xf32, #tpu.memory_space<vmem_shared>>
      tpu.wait_dma2 semaphore(%run_scoped3A : memref<!tpu.dma_semaphore, #tpu.memory_space<semaphore_mem>>) src(%arg5 : memref<128x16xf32, #tpu.memory_space<vmem>>) dst(%dma_wait3A_57 : memref<128x16xf32, #tpu.memory_space<vmem_shared>>)
      tpu.yield
    }) : () -> ()
    %mul3A_23 = arith.constant 640 : i32
    %mul3A_24 = arith.muli %arg1, %mul3A_23 : i32
    %add3A_25 = arith.constant 256 : i32
    %add3A_26 = arith.addi %mul3A_24, %add3A_25 : i32
    "tpu.region"() ({
      %run_scoped3A = tpu.sem_alloc : memref<!tpu.dma_semaphore, #tpu.memory_space<semaphore_mem>>
      %dma_start3A = arith.constant 0 : i32
      %dma_start3A_52 = tpu.memref_slice %arg6[%add3A_26, %dma_start3A] : memref<10240x16xf32, #tpu.memory_space<vmem_shared>> -> memref<128x16xf32, #tpu.memory_space<vmem_shared>>
      %dma_start3A_53 = arith.constant 0 : i32
      %dma_start3A_54 = tpu.memref_slice %arg6[%add3A_26, %dma_start3A_53] : memref<10240x16xf32, #tpu.memory_space<vmem_shared>> -> memref<128x16xf32, #tpu.memory_space<vmem_shared>>
      tpu.enqueue_dma source(%arg5 : memref<128x16xf32, #tpu.memory_space<vmem>>) target(%dma_start3A_54 : memref<128x16xf32, #tpu.memory_space<vmem_shared>>) target_semaphore(%run_scoped3A : memref<!tpu.dma_semaphore, #tpu.memory_space<semaphore_mem>>)
      %dma_wait3A = arith.constant 0 : i32
      %dma_wait3A_55 = tpu.memref_slice %arg6[%add3A_26, %dma_wait3A] : memref<10240x16xf32, #tpu.memory_space<vmem_shared>> -> memref<128x16xf32, #tpu.memory_space<vmem_shared>>
      %dma_wait3A_56 = arith.constant 0 : i32
      %dma_wait3A_57 = tpu.memref_slice %arg6[%add3A_26, %dma_wait3A_56] : memref<10240x16xf32, #tpu.memory_space<vmem_shared>> -> memref<128x16xf32, #tpu.memory_space<vmem_shared>>
      tpu.wait_dma2 semaphore(%run_scoped3A : memref<!tpu.dma_semaphore, #tpu.memory_space<semaphore_mem>>) src(%arg5 : memref<128x16xf32, #tpu.memory_space<vmem>>) dst(%dma_wait3A_57 : memref<128x16xf32, #tpu.memory_space<vmem_shared>>)
      tpu.yield
    }) : () -> ()
    %mul3A_27 = arith.constant 640 : i32
    %mul3A_28 = arith.muli %arg1, %mul3A_27 : i32
    %add3A_29 = arith.constant 384 : i32
    %add3A_30 = arith.addi %mul3A_28, %add3A_29 : i32
    "tpu.region"() ({
      %run_scoped3A = tpu.sem_alloc : memref<!tpu.dma_semaphore, #tpu.memory_space<semaphore_mem>>
      %dma_start3A = arith.constant 0 : i32
      %dma_start3A_52 = tpu.memref_slice %arg6[%add3A_30, %dma_start3A] : memref<10240x16xf32, #tpu.memory_space<vmem_shared>> -> memref<128x16xf32, #tpu.memory_space<vmem_shared>>
      %dma_start3A_53 = arith.constant 0 : i32
      %dma_start3A_54 = tpu.memref_slice %arg6[%add3A_30, %dma_start3A_53] : memref<10240x16xf32, #tpu.memory_space<vmem_shared>> -> memref<128x16xf32, #tpu.memory_space<vmem_shared>>
      tpu.enqueue_dma source(%arg5 : memref<128x16xf32, #tpu.memory_space<vmem>>) target(%dma_start3A_54 : memref<128x16xf32, #tpu.memory_space<vmem_shared>>) target_semaphore(%run_scoped3A : memref<!tpu.dma_semaphore, #tpu.memory_space<semaphore_mem>>)
      %dma_wait3A = arith.constant 0 : i32
      %dma_wait3A_55 = tpu.memref_slice %arg6[%add3A_30, %dma_wait3A] : memref<10240x16xf32, #tpu.memory_space<vmem_shared>> -> memref<128x16xf32, #tpu.memory_space<vmem_shared>>
      %dma_wait3A_56 = arith.constant 0 : i32
      %dma_wait3A_57 = tpu.memref_slice %arg6[%add3A_30, %dma_wait3A_56] : memref<10240x16xf32, #tpu.memory_space<vmem_shared>> -> memref<128x16xf32, #tpu.memory_space<vmem_shared>>
      tpu.wait_dma2 semaphore(%run_scoped3A : memref<!tpu.dma_semaphore, #tpu.memory_space<semaphore_mem>>) src(%arg5 : memref<128x16xf32, #tpu.memory_space<vmem>>) dst(%dma_wait3A_57 : memref<128x16xf32, #tpu.memory_space<vmem_shared>>)
      tpu.yield
    }) : () -> ()
    %mul3A_31 = arith.constant 640 : i32
    %mul3A_32 = arith.muli %arg1, %mul3A_31 : i32
    %add3A_33 = arith.constant 512 : i32
    %add3A_34 = arith.addi %mul3A_32, %add3A_33 : i32
    "tpu.region"() ({
      %run_scoped3A = tpu.sem_alloc : memref<!tpu.dma_semaphore, #tpu.memory_space<semaphore_mem>>
      %dma_start3A = arith.constant 0 : i32
      %dma_start3A_52 = tpu.memref_slice %arg6[%add3A_34, %dma_start3A] : memref<10240x16xf32, #tpu.memory_space<vmem_shared>> -> memref<128x16xf32, #tpu.memory_space<vmem_shared>>
      %dma_start3A_53 = arith.constant 0 : i32
      %dma_start3A_54 = tpu.memref_slice %arg6[%add3A_34, %dma_start3A_53] : memref<10240x16xf32, #tpu.memory_space<vmem_shared>> -> memref<128x16xf32, #tpu.memory_space<vmem_shared>>
      tpu.enqueue_dma source(%arg5 : memref<128x16xf32, #tpu.memory_space<vmem>>) target(%dma_start3A_54 : memref<128x16xf32, #tpu.memory_space<vmem_shared>>) target_semaphore(%run_scoped3A : memref<!tpu.dma_semaphore, #tpu.memory_space<semaphore_mem>>)
      %dma_wait3A = arith.constant 0 : i32
      %dma_wait3A_55 = tpu.memref_slice %arg6[%add3A_34, %dma_wait3A] : memref<10240x16xf32, #tpu.memory_space<vmem_shared>> -> memref<128x16xf32, #tpu.memory_space<vmem_shared>>
      %dma_wait3A_56 = arith.constant 0 : i32
      %dma_wait3A_57 = tpu.memref_slice %arg6[%add3A_34, %dma_wait3A_56] : memref<10240x16xf32, #tpu.memory_space<vmem_shared>> -> memref<128x16xf32, #tpu.memory_space<vmem_shared>>
      tpu.wait_dma2 semaphore(%run_scoped3A : memref<!tpu.dma_semaphore, #tpu.memory_space<semaphore_mem>>) src(%arg5 : memref<128x16xf32, #tpu.memory_space<vmem>>) dst(%dma_wait3A_57 : memref<128x16xf32, #tpu.memory_space<vmem_shared>>)
      tpu.yield
    }) : () -> ()
    %scan3A_35 = arith.constant 0 : i32
    %scan3A_36 = arith.constant 0 : i32
    %scan3A_37 = arith.constant 128 : i32
    %scan3A_38 = arith.addi %scan3A_36, %scan3A_37 : i32
    %scan3A_39 = arith.constant 1 : i32
    scf.for %scan3A_52 = %scan3A_36 to %scan3A_38 step %scan3A_39  : i32 {
      %swap3A = arith.index_cast %scan3A_52 : i32 to index
      %swap3A_53 = arith.constant 0 : index
      %swap3A_54 = tpu.vector_load %arg5[%swap3A, %swap3A_53] {strides = array<i32>} : memref<128x16xf32, #tpu.memory_space<vmem>>, vector<1x16xf32>,
      %swap3A_55 = vector.shape_cast %swap3A_54 : vector<1x16xf32> to vector<16xf32>
      %swap3A_56 = vector.shape_cast %broadcast_in_dim3A_1 : vector<16xf32> to vector<1x16xf32>
      tpu.vector_store %arg5[%swap3A, %swap3A_53], %swap3A_56 {strides = array<i32>} : memref<128x16xf32, #tpu.memory_space<vmem>>, vector<1x16xf32>,
    }
    %scan3A_40 = arith.constant 128 : i32
    %barrier3A = arith.constant 0 : index
    tpu.barrier barrier_id(%barrier3A)
    %scan3A_41 = arith.constant 0 : i32
    %scan3A_42 = arith.constant 0 : i32
    %scan3A_43 = arith.constant 40 : i32
    %scan3A_44 = arith.addi %scan3A_42, %scan3A_43 : i32
    %scan3A_45 = arith.constant 1 : i32
    scf.for %scan3A_52 = %scan3A_42 to %scan3A_44 step %scan3A_45  : i32 {
      %mul3A_53 = arith.constant 5120 : i32
      %mul3A_54 = arith.muli %add3A, %mul3A_53 : i32
      %mul3A_55 = arith.constant 128 : i32
      %mul3A_56 = arith.muli %scan3A_52, %mul3A_55 : i32
      %add3A_57 = arith.addi %mul3A_54, %mul3A_56 : i32
      "tpu.region"() ({
        %run_scoped3A = tpu.sem_alloc : memref<!tpu.dma_semaphore, #tpu.memory_space<semaphore_mem>>
        %dma_start3A = tpu.memref_slice %arg2[%add3A_57] : memref<163840xi32, #tpu.memory_space<hbm>> -> memref<128xi32, #tpu.memory_space<hbm>>
        %dma_start3A_58 = tpu.memref_slice %arg2[%add3A_57] : memref<163840xi32, #tpu.memory_space<hbm>> -> memref<128xi32, #tpu.memory_space<hbm>>
        tpu.enqueue_dma source(%dma_start3A_58 : memref<128xi32, #tpu.memory_space<hbm>>) target(%arg4 : memref<128xi32, #tpu.memory_space<vmem>>) target_semaphore(%run_scoped3A : memref<!tpu.dma_semaphore, #tpu.memory_space<semaphore_mem>>)
        %dma_wait3A = tpu.memref_slice %arg2[%add3A_57] : memref<163840xi32, #tpu.memory_space<hbm>> -> memref<128xi32, #tpu.memory_space<hbm>>
        %dma_wait3A_59 = tpu.memref_slice %arg2[%add3A_57] : memref<163840xi32, #tpu.memory_space<hbm>> -> memref<128xi32, #tpu.memory_space<hbm>>
        tpu.wait_dma2 semaphore(%run_scoped3A : memref<!tpu.dma_semaphore, #tpu.memory_space<semaphore_mem>>) src(%dma_wait3A_59 : memref<128xi32, #tpu.memory_space<hbm>>) dst(%arg4 : memref<128xi32, #tpu.memory_space<vmem>>)
        tpu.yield
      }) : () -> ()
      "tpu.region"() ({
        %run_scoped3A = tpu.sem_alloc : memref<!tpu.dma_semaphore, #tpu.memory_space<semaphore_mem>>
        %dma_start3A = arith.constant 0 : i32
        %dma_start3A_58 = arith.constant 0 : i32
        %dma_start3A_59 = tpu.memref_slice %arg6[%dma_start3A, %dma_start3A_58] : memref<10240x16xf32, #tpu.memory_space<vmem_shared>> -> memref<10240x16xf32, #tpu.memory_space<vmem_shared>>
        tpu.enqueue_indirect_dma source(%arg5 : memref<128x16xf32, #tpu.memory_space<vmem>>) target(%dma_start3A_59 : memref<10240x16xf32, #tpu.memory_space<vmem_shared>>) offsets(%arg4 : memref<128xi32, #tpu.memory_space<vmem>>) semaphore(%run_scoped3A : memref<!tpu.dma_semaphore, #tpu.memory_space<semaphore_mem>>) {add = true}
        %dma_wait3A = arith.constant 0 : i32
        %dma_wait3A_60 = arith.constant 0 : i32
        %dma_wait3A_61 = tpu.memref_slice %arg6[%dma_wait3A, %dma_wait3A_60] : memref<10240x16xf32, #tpu.memory_space<vmem_shared>> -> memref<10240x16xf32, #tpu.memory_space<vmem_shared>>
        tpu.wait_indirect_dma semaphore(%run_scoped3A : memref<!tpu.dma_semaphore, #tpu.memory_space<semaphore_mem>>) src(%arg5 : memref<128x16xf32, #tpu.memory_space<vmem>>) dst(%dma_wait3A_61 : memref<10240x16xf32, #tpu.memory_space<vmem_shared>>)
        tpu.yield
      }) : () -> ()
    }
    %scan3A_46 = arith.constant 40 : i32
    %barrier3A_47 = arith.constant 0 : index
    tpu.barrier barrier_id(%barrier3A_47)
    %mul3A_48 = arith.constant 640 : i32
    %mul3A_49 = arith.muli %arg1, %mul3A_48 : i32
    %mul3A_50 = arith.constant 640 : i32
    %mul3A_51 = arith.muli %arg1, %mul3A_50 : i32
    "tpu.region"() ({
      %run_scoped3A = tpu.sem_alloc : memref<!tpu.dma_semaphore, #tpu.memory_space<semaphore_mem>>
      %dma_start3A = arith.constant 0 : i32
      %dma_start3A_52 = tpu.memref_slice %arg3[%arg0, %mul3A_51, %dma_start3A] : memref<2x10240x16xf32, #tpu.memory_space<hbm>> -> memref<1x640x16xf32, #tpu.memory_space<hbm>>
      %dma_start3A_53 = tpu.memref_squeeze %dma_start3A_52 : memref<1x640x16xf32, #tpu.memory_space<hbm>> -> memref<640x16xf32, #tpu.memory_space<hbm>>
      %dma_start3A_54 = arith.constant 0 : i32
      %dma_start3A_55 = tpu.memref_slice %arg6[%mul3A_49, %dma_start3A_54] : memref<10240x16xf32, #tpu.memory_space<vmem_shared>> -> memref<640x16xf32, #tpu.memory_space<vmem_shared>>
      tpu.enqueue_dma source(%dma_start3A_55 : memref<640x16xf32, #tpu.memory_space<vmem_shared>>) target(%dma_start3A_53 : memref<640x16xf32, #tpu.memory_space<hbm>>) target_semaphore(%run_scoped3A : memref<!tpu.dma_semaphore, #tpu.memory_space<semaphore_mem>>)
      %dma_wait3A = arith.constant 0 : i32
      %dma_wait3A_56 = tpu.memref_slice %arg3[%arg0, %mul3A_51, %dma_wait3A] : memref<2x10240x16xf32, #tpu.memory_space<hbm>> -> memref<1x640x16xf32, #tpu.memory_space<hbm>>
      %dma_wait3A_57 = tpu.memref_squeeze %dma_wait3A_56 : memref<1x640x16xf32, #tpu.memory_space<hbm>> -> memref<640x16xf32, #tpu.memory_space<hbm>>
      %dma_wait3A_58 = arith.constant 0 : i32
      %dma_wait3A_59 = tpu.memref_slice %arg6[%mul3A_49, %dma_wait3A_58] : memref<10240x16xf32, #tpu.memory_space<vmem_shared>> -> memref<640x16xf32, #tpu.memory_space<vmem_shared>>
      tpu.wait_dma2 semaphore(%run_scoped3A : memref<!tpu.dma_semaphore, #tpu.memory_space<semaphore_mem>>) src(%dma_wait3A_59 : memref<640x16xf32, #tpu.memory_space<vmem_shared>>) dst(%dma_wait3A_57 : memref<640x16xf32, #tpu.memory_space<hbm>>)
      tpu.yield
    }) : () -> ()
    return
  }
}

#map = affine_map<(d0, d1) -> (0, 0)>
#map1 = affine_map<(d0, d1) -> (0)>
#map2 = affine_map<(d0, d1) -> (0, 0, 0)>
module attributes {stable_mosaic.version = 14 : i64} {
  func.func @_spmv_body(%arg0: i32, %arg1: i32, %arg2: memref<10240x96xf32, #tpu.memory_space<hbm>>, %arg3: memref<163840xi32, #tpu.memory_space<hbm>>, %arg4: memref<163840xi32, #tpu.memory_space<hbm>>, %arg5: memref<2x10240x96xf32, #tpu.memory_space<hbm>>, %arg6: memref<128xi32, #tpu.memory_space<vmem>>, %arg7: memref<128xi32, #tpu.memory_space<vmem>>, %arg8: memref<128x96xf32, #tpu.memory_space<vmem>>, %arg9: memref<10240x96xf32, #tpu.memory_space<vmem_shared>>, %arg10: memref<!tpu.dma_semaphore, #tpu.memory_space<semaphore_mem>>) attributes {dimension_semantics = [#tpu.dimension_semantics<core_parallel>, #tpu.dimension_semantics<subcore_parallel>], iteration_bounds = array<i64: 2, 16>, scalar_prefetch = 0 : i64, scratch_operands = 5 : i64, tpu.core_type = #tpu.core_type<sc_vector_subcore>, window_params = [{transform_indices = #map}, {transform_indices = #map1}, {transform_indices = #map1}, {transform_indices = #map2}]} {
    %mul3A = arith.constant 16 : i32
    %mul3A_0 = arith.muli %arg0, %mul3A : i32
    %add3A = arith.addi %mul3A_0, %arg1 : i32
    %broadcast_in_dim3A = arith.constant 0.000000e+00 : f32
    %broadcast_in_dim3A_1 = vector.broadcast %broadcast_in_dim3A : f32 to vector<16xf32>
    %scan3A = arith.constant 0 : i32
    %scan3A_2 = arith.constant 0 : i32
    %scan3A_3 = arith.constant 128 : i32
    %scan3A_4 = arith.addi %scan3A_2, %scan3A_3 : i32
    %scan3A_5 = arith.constant 1 : i32
    scf.for %scan3A_38 = %scan3A_2 to %scan3A_4 step %scan3A_5  : i32 {
      %swap3A = arith.index_cast %scan3A_38 : i32 to index
      %swap3A_39 = arith.constant 0 : index
      %swap3A_40 = tpu.vector_load %arg8[%swap3A, %swap3A_39] {strides = array<i32>} : memref<128x96xf32, #tpu.memory_space<vmem>>, vector<1x16xf32>,
      %swap3A_41 = vector.shape_cast %swap3A_40 : vector<1x16xf32> to vector<16xf32>
      %swap3A_42 = vector.shape_cast %broadcast_in_dim3A_1 : vector<16xf32> to vector<1x16xf32>
      tpu.vector_store %arg8[%swap3A, %swap3A_39], %swap3A_42 {strides = array<i32>} : memref<128x96xf32, #tpu.memory_space<vmem>>, vector<1x16xf32>,
      %swap3A_43 = arith.index_cast %scan3A_38 : i32 to index
      %swap3A_44 = arith.constant 16 : index
      %swap3A_45 = tpu.vector_load %arg8[%swap3A_43, %swap3A_44] {strides = array<i32>} : memref<128x96xf32, #tpu.memory_space<vmem>>, vector<1x16xf32>,
      %swap3A_46 = vector.shape_cast %swap3A_45 : vector<1x16xf32> to vector<16xf32>
      %swap3A_47 = vector.shape_cast %broadcast_in_dim3A_1 : vector<16xf32> to vector<1x16xf32>
      tpu.vector_store %arg8[%swap3A_43, %swap3A_44], %swap3A_47 {strides = array<i32>} : memref<128x96xf32, #tpu.memory_space<vmem>>, vector<1x16xf32>,
      %swap3A_48 = arith.index_cast %scan3A_38 : i32 to index
      %swap3A_49 = arith.constant 32 : index
      %swap3A_50 = tpu.vector_load %arg8[%swap3A_48, %swap3A_49] {strides = array<i32>} : memref<128x96xf32, #tpu.memory_space<vmem>>, vector<1x16xf32>,
      %swap3A_51 = vector.shape_cast %swap3A_50 : vector<1x16xf32> to vector<16xf32>
      %swap3A_52 = vector.shape_cast %broadcast_in_dim3A_1 : vector<16xf32> to vector<1x16xf32>
      tpu.vector_store %arg8[%swap3A_48, %swap3A_49], %swap3A_52 {strides = array<i32>} : memref<128x96xf32, #tpu.memory_space<vmem>>, vector<1x16xf32>,
      %swap3A_53 = arith.index_cast %scan3A_38 : i32 to index
      %swap3A_54 = arith.constant 48 : index
      %swap3A_55 = tpu.vector_load %arg8[%swap3A_53, %swap3A_54] {strides = array<i32>} : memref<128x96xf32, #tpu.memory_space<vmem>>, vector<1x16xf32>,
      %swap3A_56 = vector.shape_cast %swap3A_55 : vector<1x16xf32> to vector<16xf32>
      %swap3A_57 = vector.shape_cast %broadcast_in_dim3A_1 : vector<16xf32> to vector<1x16xf32>
      tpu.vector_store %arg8[%swap3A_53, %swap3A_54], %swap3A_57 {strides = array<i32>} : memref<128x96xf32, #tpu.memory_space<vmem>>, vector<1x16xf32>,
      %swap3A_58 = arith.index_cast %scan3A_38 : i32 to index
      %swap3A_59 = arith.constant 64 : index
      %swap3A_60 = tpu.vector_load %arg8[%swap3A_58, %swap3A_59] {strides = array<i32>} : memref<128x96xf32, #tpu.memory_space<vmem>>, vector<1x16xf32>,
      %swap3A_61 = vector.shape_cast %swap3A_60 : vector<1x16xf32> to vector<16xf32>
      %swap3A_62 = vector.shape_cast %broadcast_in_dim3A_1 : vector<16xf32> to vector<1x16xf32>
      tpu.vector_store %arg8[%swap3A_58, %swap3A_59], %swap3A_62 {strides = array<i32>} : memref<128x96xf32, #tpu.memory_space<vmem>>, vector<1x16xf32>,
      %swap3A_63 = arith.index_cast %scan3A_38 : i32 to index
      %swap3A_64 = arith.constant 80 : index
      %swap3A_65 = tpu.vector_load %arg8[%swap3A_63, %swap3A_64] {strides = array<i32>} : memref<128x96xf32, #tpu.memory_space<vmem>>, vector<1x16xf32>,
      %swap3A_66 = vector.shape_cast %swap3A_65 : vector<1x16xf32> to vector<16xf32>
      %swap3A_67 = vector.shape_cast %broadcast_in_dim3A_1 : vector<16xf32> to vector<1x16xf32>
      tpu.vector_store %arg8[%swap3A_63, %swap3A_64], %swap3A_67 {strides = array<i32>} : memref<128x96xf32, #tpu.memory_space<vmem>>, vector<1x16xf32>,
    }
    %scan3A_6 = arith.constant 128 : i32
    %mul3A_7 = arith.constant 640 : i32
    %mul3A_8 = arith.muli %arg1, %mul3A_7 : i32
    %add3A_9 = arith.constant 0 : i32
    %add3A_10 = arith.addi %mul3A_8, %add3A_9 : i32
    "tpu.region"() ({
      %run_scoped3A = tpu.sem_alloc : memref<!tpu.dma_semaphore, #tpu.memory_space<semaphore_mem>>
      %dma_start3A = arith.constant 0 : i32
      %dma_start3A_38 = tpu.memref_slice %arg9[%add3A_10, %dma_start3A] : memref<10240x96xf32, #tpu.memory_space<vmem_shared>> -> memref<128x96xf32, #tpu.memory_space<vmem_shared>>
      %dma_start3A_39 = arith.constant 0 : i32
      %dma_start3A_40 = tpu.memref_slice %arg9[%add3A_10, %dma_start3A_39] : memref<10240x96xf32, #tpu.memory_space<vmem_shared>> -> memref<128x96xf32, #tpu.memory_space<vmem_shared>>
      tpu.enqueue_dma source(%arg8 : memref<128x96xf32, #tpu.memory_space<vmem>>) target(%dma_start3A_40 : memref<128x96xf32, #tpu.memory_space<vmem_shared>>) target_semaphore(%run_scoped3A : memref<!tpu.dma_semaphore, #tpu.memory_space<semaphore_mem>>)
      %dma_wait3A = arith.constant 0 : i32
      %dma_wait3A_41 = tpu.memref_slice %arg9[%add3A_10, %dma_wait3A] : memref<10240x96xf32, #tpu.memory_space<vmem_shared>> -> memref<128x96xf32, #tpu.memory_space<vmem_shared>>
      %dma_wait3A_42 = arith.constant 0 : i32
      %dma_wait3A_43 = tpu.memref_slice %arg9[%add3A_10, %dma_wait3A_42] : memref<10240x96xf32, #tpu.memory_space<vmem_shared>> -> memref<128x96xf32, #tpu.memory_space<vmem_shared>>
      tpu.wait_dma2 semaphore(%run_scoped3A : memref<!tpu.dma_semaphore, #tpu.memory_space<semaphore_mem>>) src(%arg8 : memref<128x96xf32, #tpu.memory_space<vmem>>) dst(%dma_wait3A_43 : memref<128x96xf32, #tpu.memory_space<vmem_shared>>)
      tpu.yield
    }) : () -> ()
    %mul3A_11 = arith.constant 640 : i32
    %mul3A_12 = arith.muli %arg1, %mul3A_11 : i32
    %add3A_13 = arith.constant 128 : i32
    %add3A_14 = arith.addi %mul3A_12, %add3A_13 : i32
    "tpu.region"() ({
      %run_scoped3A = tpu.sem_alloc : memref<!tpu.dma_semaphore, #tpu.memory_space<semaphore_mem>>
      %dma_start3A = arith.constant 0 : i32
      %dma_start3A_38 = tpu.memref_slice %arg9[%add3A_14, %dma_start3A] : memref<10240x96xf32, #tpu.memory_space<vmem_shared>> -> memref<128x96xf32, #tpu.memory_space<vmem_shared>>
      %dma_start3A_39 = arith.constant 0 : i32
      %dma_start3A_40 = tpu.memref_slice %arg9[%add3A_14, %dma_start3A_39] : memref<10240x96xf32, #tpu.memory_space<vmem_shared>> -> memref<128x96xf32, #tpu.memory_space<vmem_shared>>
      tpu.enqueue_dma source(%arg8 : memref<128x96xf32, #tpu.memory_space<vmem>>) target(%dma_start3A_40 : memref<128x96xf32, #tpu.memory_space<vmem_shared>>) target_semaphore(%run_scoped3A : memref<!tpu.dma_semaphore, #tpu.memory_space<semaphore_mem>>)
      %dma_wait3A = arith.constant 0 : i32
      %dma_wait3A_41 = tpu.memref_slice %arg9[%add3A_14, %dma_wait3A] : memref<10240x96xf32, #tpu.memory_space<vmem_shared>> -> memref<128x96xf32, #tpu.memory_space<vmem_shared>>
      %dma_wait3A_42 = arith.constant 0 : i32
      %dma_wait3A_43 = tpu.memref_slice %arg9[%add3A_14, %dma_wait3A_42] : memref<10240x96xf32, #tpu.memory_space<vmem_shared>> -> memref<128x96xf32, #tpu.memory_space<vmem_shared>>
      tpu.wait_dma2 semaphore(%run_scoped3A : memref<!tpu.dma_semaphore, #tpu.memory_space<semaphore_mem>>) src(%arg8 : memref<128x96xf32, #tpu.memory_space<vmem>>) dst(%dma_wait3A_43 : memref<128x96xf32, #tpu.memory_space<vmem_shared>>)
      tpu.yield
    }) : () -> ()
    %mul3A_15 = arith.constant 640 : i32
    %mul3A_16 = arith.muli %arg1, %mul3A_15 : i32
    %add3A_17 = arith.constant 256 : i32
    %add3A_18 = arith.addi %mul3A_16, %add3A_17 : i32
    "tpu.region"() ({
      %run_scoped3A = tpu.sem_alloc : memref<!tpu.dma_semaphore, #tpu.memory_space<semaphore_mem>>
      %dma_start3A = arith.constant 0 : i32
      %dma_start3A_38 = tpu.memref_slice %arg9[%add3A_18, %dma_start3A] : memref<10240x96xf32, #tpu.memory_space<vmem_shared>> -> memref<128x96xf32, #tpu.memory_space<vmem_shared>>
      %dma_start3A_39 = arith.constant 0 : i32
      %dma_start3A_40 = tpu.memref_slice %arg9[%add3A_18, %dma_start3A_39] : memref<10240x96xf32, #tpu.memory_space<vmem_shared>> -> memref<128x96xf32, #tpu.memory_space<vmem_shared>>
      tpu.enqueue_dma source(%arg8 : memref<128x96xf32, #tpu.memory_space<vmem>>) target(%dma_start3A_40 : memref<128x96xf32, #tpu.memory_space<vmem_shared>>) target_semaphore(%run_scoped3A : memref<!tpu.dma_semaphore, #tpu.memory_space<semaphore_mem>>)
      %dma_wait3A = arith.constant 0 : i32
      %dma_wait3A_41 = tpu.memref_slice %arg9[%add3A_18, %dma_wait3A] : memref<10240x96xf32, #tpu.memory_space<vmem_shared>> -> memref<128x96xf32, #tpu.memory_space<vmem_shared>>
      %dma_wait3A_42 = arith.constant 0 : i32
      %dma_wait3A_43 = tpu.memref_slice %arg9[%add3A_18, %dma_wait3A_42] : memref<10240x96xf32, #tpu.memory_space<vmem_shared>> -> memref<128x96xf32, #tpu.memory_space<vmem_shared>>
      tpu.wait_dma2 semaphore(%run_scoped3A : memref<!tpu.dma_semaphore, #tpu.memory_space<semaphore_mem>>) src(%arg8 : memref<128x96xf32, #tpu.memory_space<vmem>>) dst(%dma_wait3A_43 : memref<128x96xf32, #tpu.memory_space<vmem_shared>>)
      tpu.yield
    }) : () -> ()
    %mul3A_19 = arith.constant 640 : i32
    %mul3A_20 = arith.muli %arg1, %mul3A_19 : i32
    %add3A_21 = arith.constant 384 : i32
    %add3A_22 = arith.addi %mul3A_20, %add3A_21 : i32
    "tpu.region"() ({
      %run_scoped3A = tpu.sem_alloc : memref<!tpu.dma_semaphore, #tpu.memory_space<semaphore_mem>>
      %dma_start3A = arith.constant 0 : i32
      %dma_start3A_38 = tpu.memref_slice %arg9[%add3A_22, %dma_start3A] : memref<10240x96xf32, #tpu.memory_space<vmem_shared>> -> memref<128x96xf32, #tpu.memory_space<vmem_shared>>
      %dma_start3A_39 = arith.constant 0 : i32
      %dma_start3A_40 = tpu.memref_slice %arg9[%add3A_22, %dma_start3A_39] : memref<10240x96xf32, #tpu.memory_space<vmem_shared>> -> memref<128x96xf32, #tpu.memory_space<vmem_shared>>
      tpu.enqueue_dma source(%arg8 : memref<128x96xf32, #tpu.memory_space<vmem>>) target(%dma_start3A_40 : memref<128x96xf32, #tpu.memory_space<vmem_shared>>) target_semaphore(%run_scoped3A : memref<!tpu.dma_semaphore, #tpu.memory_space<semaphore_mem>>)
      %dma_wait3A = arith.constant 0 : i32
      %dma_wait3A_41 = tpu.memref_slice %arg9[%add3A_22, %dma_wait3A] : memref<10240x96xf32, #tpu.memory_space<vmem_shared>> -> memref<128x96xf32, #tpu.memory_space<vmem_shared>>
      %dma_wait3A_42 = arith.constant 0 : i32
      %dma_wait3A_43 = tpu.memref_slice %arg9[%add3A_22, %dma_wait3A_42] : memref<10240x96xf32, #tpu.memory_space<vmem_shared>> -> memref<128x96xf32, #tpu.memory_space<vmem_shared>>
      tpu.wait_dma2 semaphore(%run_scoped3A : memref<!tpu.dma_semaphore, #tpu.memory_space<semaphore_mem>>) src(%arg8 : memref<128x96xf32, #tpu.memory_space<vmem>>) dst(%dma_wait3A_43 : memref<128x96xf32, #tpu.memory_space<vmem_shared>>)
      tpu.yield
    }) : () -> ()
    %mul3A_23 = arith.constant 640 : i32
    %mul3A_24 = arith.muli %arg1, %mul3A_23 : i32
    %add3A_25 = arith.constant 512 : i32
    %add3A_26 = arith.addi %mul3A_24, %add3A_25 : i32
    "tpu.region"() ({
      %run_scoped3A = tpu.sem_alloc : memref<!tpu.dma_semaphore, #tpu.memory_space<semaphore_mem>>
      %dma_start3A = arith.constant 0 : i32
      %dma_start3A_38 = tpu.memref_slice %arg9[%add3A_26, %dma_start3A] : memref<10240x96xf32, #tpu.memory_space<vmem_shared>> -> memref<128x96xf32, #tpu.memory_space<vmem_shared>>
      %dma_start3A_39 = arith.constant 0 : i32
      %dma_start3A_40 = tpu.memref_slice %arg9[%add3A_26, %dma_start3A_39] : memref<10240x96xf32, #tpu.memory_space<vmem_shared>> -> memref<128x96xf32, #tpu.memory_space<vmem_shared>>
      tpu.enqueue_dma source(%arg8 : memref<128x96xf32, #tpu.memory_space<vmem>>) target(%dma_start3A_40 : memref<128x96xf32, #tpu.memory_space<vmem_shared>>) target_semaphore(%run_scoped3A : memref<!tpu.dma_semaphore, #tpu.memory_space<semaphore_mem>>)
      %dma_wait3A = arith.constant 0 : i32
      %dma_wait3A_41 = tpu.memref_slice %arg9[%add3A_26, %dma_wait3A] : memref<10240x96xf32, #tpu.memory_space<vmem_shared>> -> memref<128x96xf32, #tpu.memory_space<vmem_shared>>
      %dma_wait3A_42 = arith.constant 0 : i32
      %dma_wait3A_43 = tpu.memref_slice %arg9[%add3A_26, %dma_wait3A_42] : memref<10240x96xf32, #tpu.memory_space<vmem_shared>> -> memref<128x96xf32, #tpu.memory_space<vmem_shared>>
      tpu.wait_dma2 semaphore(%run_scoped3A : memref<!tpu.dma_semaphore, #tpu.memory_space<semaphore_mem>>) src(%arg8 : memref<128x96xf32, #tpu.memory_space<vmem>>) dst(%dma_wait3A_43 : memref<128x96xf32, #tpu.memory_space<vmem_shared>>)
      tpu.yield
    }) : () -> ()
    %barrier3A = arith.constant 0 : index
    tpu.barrier barrier_id(%barrier3A)
    %scan3A_27 = arith.constant 0 : i32
    %scan3A_28 = arith.constant 0 : i32
    %scan3A_29 = arith.constant 40 : i32
    %scan3A_30 = arith.addi %scan3A_28, %scan3A_29 : i32
    %scan3A_31 = arith.constant 1 : i32
    scf.for %scan3A_38 = %scan3A_28 to %scan3A_30 step %scan3A_31  : i32 {
      %mul3A_39 = arith.constant 5120 : i32
      %mul3A_40 = arith.muli %add3A, %mul3A_39 : i32
      %mul3A_41 = arith.constant 128 : i32
      %mul3A_42 = arith.muli %scan3A_38, %mul3A_41 : i32
      %add3A_43 = arith.addi %mul3A_40, %mul3A_42 : i32
      "tpu.region"() ({
        %run_scoped3A = tpu.sem_alloc : memref<!tpu.dma_semaphore, #tpu.memory_space<semaphore_mem>>
        %dma_start3A_48 = tpu.memref_slice %arg3[%add3A_43] : memref<163840xi32, #tpu.memory_space<hbm>> -> memref<128xi32, #tpu.memory_space<hbm>>
        %dma_start3A_49 = tpu.memref_slice %arg3[%add3A_43] : memref<163840xi32, #tpu.memory_space<hbm>> -> memref<128xi32, #tpu.memory_space<hbm>>
        tpu.enqueue_dma source(%dma_start3A_49 : memref<128xi32, #tpu.memory_space<hbm>>) target(%arg6 : memref<128xi32, #tpu.memory_space<vmem>>) target_semaphore(%run_scoped3A : memref<!tpu.dma_semaphore, #tpu.memory_space<semaphore_mem>>)
        %dma_wait3A_50 = tpu.memref_slice %arg3[%add3A_43] : memref<163840xi32, #tpu.memory_space<hbm>> -> memref<128xi32, #tpu.memory_space<hbm>>
        %dma_wait3A_51 = tpu.memref_slice %arg3[%add3A_43] : memref<163840xi32, #tpu.memory_space<hbm>> -> memref<128xi32, #tpu.memory_space<hbm>>
        tpu.wait_dma2 semaphore(%run_scoped3A : memref<!tpu.dma_semaphore, #tpu.memory_space<semaphore_mem>>) src(%dma_wait3A_51 : memref<128xi32, #tpu.memory_space<hbm>>) dst(%arg6 : memref<128xi32, #tpu.memory_space<vmem>>)
        tpu.yield
      }) : () -> ()
      "tpu.region"() ({
        %run_scoped3A = tpu.sem_alloc : memref<!tpu.dma_semaphore, #tpu.memory_space<semaphore_mem>>
        %dma_start3A_48 = tpu.memref_slice %arg4[%add3A_43] : memref<163840xi32, #tpu.memory_space<hbm>> -> memref<128xi32, #tpu.memory_space<hbm>>
        %dma_start3A_49 = tpu.memref_slice %arg4[%add3A_43] : memref<163840xi32, #tpu.memory_space<hbm>> -> memref<128xi32, #tpu.memory_space<hbm>>
        tpu.enqueue_dma source(%dma_start3A_49 : memref<128xi32, #tpu.memory_space<hbm>>) target(%arg7 : memref<128xi32, #tpu.memory_space<vmem>>) target_semaphore(%run_scoped3A : memref<!tpu.dma_semaphore, #tpu.memory_space<semaphore_mem>>)
        %dma_wait3A_50 = tpu.memref_slice %arg4[%add3A_43] : memref<163840xi32, #tpu.memory_space<hbm>> -> memref<128xi32, #tpu.memory_space<hbm>>
        %dma_wait3A_51 = tpu.memref_slice %arg4[%add3A_43] : memref<163840xi32, #tpu.memory_space<hbm>> -> memref<128xi32, #tpu.memory_space<hbm>>
        tpu.wait_dma2 semaphore(%run_scoped3A : memref<!tpu.dma_semaphore, #tpu.memory_space<semaphore_mem>>) src(%dma_wait3A_51 : memref<128xi32, #tpu.memory_space<hbm>>) dst(%arg7 : memref<128xi32, #tpu.memory_space<vmem>>)
        tpu.yield
      }) : () -> ()
      %dma_start3A = arith.constant 0 : i32
      %dma_start3A_44 = arith.constant 0 : i32
      %dma_start3A_45 = tpu.memref_slice %arg2[%dma_start3A, %dma_start3A_44] : memref<10240x96xf32, #tpu.memory_space<hbm>> -> memref<10240x96xf32, #tpu.memory_space<hbm>>
      tpu.enqueue_indirect_dma source(%dma_start3A_45 : memref<10240x96xf32, #tpu.memory_space<hbm>>) target(%arg8 : memref<128x96xf32, #tpu.memory_space<vmem>>) offsets(%arg6 : memref<128xi32, #tpu.memory_space<vmem>>) semaphore(%arg10 : memref<!tpu.dma_semaphore, #tpu.memory_space<semaphore_mem>>)
      %dma_wait3A = arith.constant 0 : i32
      %dma_wait3A_46 = arith.constant 0 : i32
      %dma_wait3A_47 = tpu.memref_slice %arg2[%dma_wait3A, %dma_wait3A_46] : memref<10240x96xf32, #tpu.memory_space<hbm>> -> memref<10240x96xf32, #tpu.memory_space<hbm>>
      tpu.wait_indirect_dma semaphore(%arg10 : memref<!tpu.dma_semaphore, #tpu.memory_space<semaphore_mem>>) src(%dma_wait3A_47 : memref<10240x96xf32, #tpu.memory_space<hbm>>) dst(%arg8 : memref<128x96xf32, #tpu.memory_space<vmem>>)
      "tpu.region"() ({
        %run_scoped3A = tpu.sem_alloc : memref<!tpu.dma_semaphore, #tpu.memory_space<semaphore_mem>>
        %dma_start3A_48 = arith.constant 0 : i32
        %dma_start3A_49 = arith.constant 0 : i32
        %dma_start3A_50 = tpu.memref_slice %arg9[%dma_start3A_48, %dma_start3A_49] : memref<10240x96xf32, #tpu.memory_space<vmem_shared>> -> memref<10240x96xf32, #tpu.memory_space<vmem_shared>>
        tpu.enqueue_indirect_dma source(%arg8 : memref<128x96xf32, #tpu.memory_space<vmem>>) target(%dma_start3A_50 : memref<10240x96xf32, #tpu.memory_space<vmem_shared>>) offsets(%arg7 : memref<128xi32, #tpu.memory_space<vmem>>) semaphore(%run_scoped3A : memref<!tpu.dma_semaphore, #tpu.memory_space<semaphore_mem>>) {add = true}
        %dma_wait3A_51 = arith.constant 0 : i32
        %dma_wait3A_52 = arith.constant 0 : i32
        %dma_wait3A_53 = tpu.memref_slice %arg9[%dma_wait3A_51, %dma_wait3A_52] : memref<10240x96xf32, #tpu.memory_space<vmem_shared>> -> memref<10240x96xf32, #tpu.memory_space<vmem_shared>>
        tpu.wait_indirect_dma semaphore(%run_scoped3A : memref<!tpu.dma_semaphore, #tpu.memory_space<semaphore_mem>>) src(%arg8 : memref<128x96xf32, #tpu.memory_space<vmem>>) dst(%dma_wait3A_53 : memref<10240x96xf32, #tpu.memory_space<vmem_shared>>)
        tpu.yield
      }) : () -> ()
    }
    %scan3A_32 = arith.constant 40 : i32
    %barrier3A_33 = arith.constant 0 : index
    tpu.barrier barrier_id(%barrier3A_33)
    %mul3A_34 = arith.constant 640 : i32
    %mul3A_35 = arith.muli %arg1, %mul3A_34 : i32
    %mul3A_36 = arith.constant 640 : i32
    %mul3A_37 = arith.muli %arg1, %mul3A_36 : i32
    "tpu.region"() ({
      %run_scoped3A = tpu.sem_alloc : memref<!tpu.dma_semaphore, #tpu.memory_space<semaphore_mem>>
      %dma_start3A = arith.constant 0 : i32
      %dma_start3A_38 = tpu.memref_slice %arg5[%arg0, %mul3A_37, %dma_start3A] : memref<2x10240x96xf32, #tpu.memory_space<hbm>> -> memref<1x640x96xf32, #tpu.memory_space<hbm>>
      %dma_start3A_39 = tpu.memref_squeeze %dma_start3A_38 : memref<1x640x96xf32, #tpu.memory_space<hbm>> -> memref<640x96xf32, #tpu.memory_space<hbm>>
      %dma_start3A_40 = arith.constant 0 : i32
      %dma_start3A_41 = tpu.memref_slice %arg9[%mul3A_35, %dma_start3A_40] : memref<10240x96xf32, #tpu.memory_space<vmem_shared>> -> memref<640x96xf32, #tpu.memory_space<vmem_shared>>
      tpu.enqueue_dma source(%dma_start3A_41 : memref<640x96xf32, #tpu.memory_space<vmem_shared>>) target(%dma_start3A_39 : memref<640x96xf32, #tpu.memory_space<hbm>>) target_semaphore(%run_scoped3A : memref<!tpu.dma_semaphore, #tpu.memory_space<semaphore_mem>>)
      %dma_wait3A = arith.constant 0 : i32
      %dma_wait3A_42 = tpu.memref_slice %arg5[%arg0, %mul3A_37, %dma_wait3A] : memref<2x10240x96xf32, #tpu.memory_space<hbm>> -> memref<1x640x96xf32, #tpu.memory_space<hbm>>
      %dma_wait3A_43 = tpu.memref_squeeze %dma_wait3A_42 : memref<1x640x96xf32, #tpu.memory_space<hbm>> -> memref<640x96xf32, #tpu.memory_space<hbm>>
      %dma_wait3A_44 = arith.constant 0 : i32
      %dma_wait3A_45 = tpu.memref_slice %arg9[%mul3A_35, %dma_wait3A_44] : memref<10240x96xf32, #tpu.memory_space<vmem_shared>> -> memref<640x96xf32, #tpu.memory_space<vmem_shared>>
      tpu.wait_dma2 semaphore(%run_scoped3A : memref<!tpu.dma_semaphore, #tpu.memory_space<semaphore_mem>>) src(%dma_wait3A_45 : memref<640x96xf32, #tpu.memory_space<vmem_shared>>) dst(%dma_wait3A_43 : memref<640x96xf32, #tpu.memory_space<hbm>>)
      tpu.yield
    }) : () -> ()
    return
  }
}

#map = affine_map<(d0, d1) -> (0, 0)>
#map1 = affine_map<(d0, d1) -> (0)>
#map2 = affine_map<(d0, d1) -> (0, 0, 0)>
module attributes {stable_mosaic.version = 14 : i64} {
  func.func @_spmv_body(%arg0: i32, %arg1: i32, %arg2: memref<10240x96xf32, #tpu.memory_space<hbm>>, %arg3: memref<163840xi32, #tpu.memory_space<hbm>>, %arg4: memref<163840xi32, #tpu.memory_space<hbm>>, %arg5: memref<2x10240x96xf32, #tpu.memory_space<hbm>>, %arg6: memref<128xi32, #tpu.memory_space<vmem>>, %arg7: memref<128xi32, #tpu.memory_space<vmem>>, %arg8: memref<128x96xf32, #tpu.memory_space<vmem>>, %arg9: memref<10240x96xf32, #tpu.memory_space<vmem_shared>>, %arg10: memref<!tpu.dma_semaphore, #tpu.memory_space<semaphore_mem>>) attributes {dimension_semantics = [#tpu.dimension_semantics<core_parallel>, #tpu.dimension_semantics<subcore_parallel>], iteration_bounds = array<i64: 2, 16>, scalar_prefetch = 0 : i64, scratch_operands = 5 : i64, tpu.core_type = #tpu.core_type<sc_vector_subcore>, window_params = [{transform_indices = #map}, {transform_indices = #map1}, {transform_indices = #map1}, {transform_indices = #map2}]} {
    %mul3A = arith.constant 16 : i32
    %mul3A_0 = arith.muli %arg0, %mul3A : i32
    %add3A = arith.addi %mul3A_0, %arg1 : i32
    %broadcast_in_dim3A = arith.constant 0.000000e+00 : f32
    %broadcast_in_dim3A_1 = vector.broadcast %broadcast_in_dim3A : f32 to vector<16xf32>
    %scan3A = arith.constant 0 : i32
    %scan3A_2 = arith.constant 0 : i32
    %scan3A_3 = arith.constant 128 : i32
    %scan3A_4 = arith.addi %scan3A_2, %scan3A_3 : i32
    %scan3A_5 = arith.constant 1 : i32
    scf.for %scan3A_38 = %scan3A_2 to %scan3A_4 step %scan3A_5  : i32 {
      %swap3A = arith.index_cast %scan3A_38 : i32 to index
      %swap3A_39 = arith.constant 0 : index
      %swap3A_40 = tpu.vector_load %arg8[%swap3A, %swap3A_39] {strides = array<i32>} : memref<128x96xf32, #tpu.memory_space<vmem>>, vector<1x16xf32>,
      %swap3A_41 = vector.shape_cast %swap3A_40 : vector<1x16xf32> to vector<16xf32>
      %swap3A_42 = vector.shape_cast %broadcast_in_dim3A_1 : vector<16xf32> to vector<1x16xf32>
      tpu.vector_store %arg8[%swap3A, %swap3A_39], %swap3A_42 {strides = array<i32>} : memref<128x96xf32, #tpu.memory_space<vmem>>, vector<1x16xf32>,
      %swap3A_43 = arith.index_cast %scan3A_38 : i32 to index
      %swap3A_44 = arith.constant 16 : index
      %swap3A_45 = tpu.vector_load %arg8[%swap3A_43, %swap3A_44] {strides = array<i32>} : memref<128x96xf32, #tpu.memory_space<vmem>>, vector<1x16xf32>,
      %swap3A_46 = vector.shape_cast %swap3A_45 : vector<1x16xf32> to vector<16xf32>
      %swap3A_47 = vector.shape_cast %broadcast_in_dim3A_1 : vector<16xf32> to vector<1x16xf32>
      tpu.vector_store %arg8[%swap3A_43, %swap3A_44], %swap3A_47 {strides = array<i32>} : memref<128x96xf32, #tpu.memory_space<vmem>>, vector<1x16xf32>,
      %swap3A_48 = arith.index_cast %scan3A_38 : i32 to index
      %swap3A_49 = arith.constant 32 : index
      %swap3A_50 = tpu.vector_load %arg8[%swap3A_48, %swap3A_49] {strides = array<i32>} : memref<128x96xf32, #tpu.memory_space<vmem>>, vector<1x16xf32>,
      %swap3A_51 = vector.shape_cast %swap3A_50 : vector<1x16xf32> to vector<16xf32>
      %swap3A_52 = vector.shape_cast %broadcast_in_dim3A_1 : vector<16xf32> to vector<1x16xf32>
      tpu.vector_store %arg8[%swap3A_48, %swap3A_49], %swap3A_52 {strides = array<i32>} : memref<128x96xf32, #tpu.memory_space<vmem>>, vector<1x16xf32>,
      %swap3A_53 = arith.index_cast %scan3A_38 : i32 to index
      %swap3A_54 = arith.constant 48 : index
      %swap3A_55 = tpu.vector_load %arg8[%swap3A_53, %swap3A_54] {strides = array<i32>} : memref<128x96xf32, #tpu.memory_space<vmem>>, vector<1x16xf32>,
      %swap3A_56 = vector.shape_cast %swap3A_55 : vector<1x16xf32> to vector<16xf32>
      %swap3A_57 = vector.shape_cast %broadcast_in_dim3A_1 : vector<16xf32> to vector<1x16xf32>
      tpu.vector_store %arg8[%swap3A_53, %swap3A_54], %swap3A_57 {strides = array<i32>} : memref<128x96xf32, #tpu.memory_space<vmem>>, vector<1x16xf32>,
      %swap3A_58 = arith.index_cast %scan3A_38 : i32 to index
      %swap3A_59 = arith.constant 64 : index
      %swap3A_60 = tpu.vector_load %arg8[%swap3A_58, %swap3A_59] {strides = array<i32>} : memref<128x96xf32, #tpu.memory_space<vmem>>, vector<1x16xf32>,
      %swap3A_61 = vector.shape_cast %swap3A_60 : vector<1x16xf32> to vector<16xf32>
      %swap3A_62 = vector.shape_cast %broadcast_in_dim3A_1 : vector<16xf32> to vector<1x16xf32>
      tpu.vector_store %arg8[%swap3A_58, %swap3A_59], %swap3A_62 {strides = array<i32>} : memref<128x96xf32, #tpu.memory_space<vmem>>, vector<1x16xf32>,
      %swap3A_63 = arith.index_cast %scan3A_38 : i32 to index
      %swap3A_64 = arith.constant 80 : index
      %swap3A_65 = tpu.vector_load %arg8[%swap3A_63, %swap3A_64] {strides = array<i32>} : memref<128x96xf32, #tpu.memory_space<vmem>>, vector<1x16xf32>,
      %swap3A_66 = vector.shape_cast %swap3A_65 : vector<1x16xf32> to vector<16xf32>
      %swap3A_67 = vector.shape_cast %broadcast_in_dim3A_1 : vector<16xf32> to vector<1x16xf32>
      tpu.vector_store %arg8[%swap3A_63, %swap3A_64], %swap3A_67 {strides = array<i32>} : memref<128x96xf32, #tpu.memory_space<vmem>>, vector<1x16xf32>,
    }
    %scan3A_6 = arith.constant 128 : i32
    %mul3A_7 = arith.constant 640 : i32
    %mul3A_8 = arith.muli %arg1, %mul3A_7 : i32
    %add3A_9 = arith.constant 0 : i32
    %add3A_10 = arith.addi %mul3A_8, %add3A_9 : i32
    "tpu.region"() ({
      %run_scoped3A = tpu.sem_alloc : memref<!tpu.dma_semaphore, #tpu.memory_space<semaphore_mem>>
      %dma_start3A = arith.constant 0 : i32
      %dma_start3A_38 = tpu.memref_slice %arg9[%add3A_10, %dma_start3A] : memref<10240x96xf32, #tpu.memory_space<vmem_shared>> -> memref<128x96xf32, #tpu.memory_space<vmem_shared>>
      %dma_start3A_39 = arith.constant 0 : i32
      %dma_start3A_40 = tpu.memref_slice %arg9[%add3A_10, %dma_start3A_39] : memref<10240x96xf32, #tpu.memory_space<vmem_shared>> -> memref<128x96xf32, #tpu.memory_space<vmem_shared>>
      tpu.enqueue_dma source(%arg8 : memref<128x96xf32, #tpu.memory_space<vmem>>) target(%dma_start3A_40 : memref<128x96xf32, #tpu.memory_space<vmem_shared>>) target_semaphore(%run_scoped3A : memref<!tpu.dma_semaphore, #tpu.memory_space<semaphore_mem>>)
      %dma_wait3A = arith.constant 0 : i32
      %dma_wait3A_41 = tpu.memref_slice %arg9[%add3A_10, %dma_wait3A] : memref<10240x96xf32, #tpu.memory_space<vmem_shared>> -> memref<128x96xf32, #tpu.memory_space<vmem_shared>>
      %dma_wait3A_42 = arith.constant 0 : i32
      %dma_wait3A_43 = tpu.memref_slice %arg9[%add3A_10, %dma_wait3A_42] : memref<10240x96xf32, #tpu.memory_space<vmem_shared>> -> memref<128x96xf32, #tpu.memory_space<vmem_shared>>
      tpu.wait_dma2 semaphore(%run_scoped3A : memref<!tpu.dma_semaphore, #tpu.memory_space<semaphore_mem>>) src(%arg8 : memref<128x96xf32, #tpu.memory_space<vmem>>) dst(%dma_wait3A_43 : memref<128x96xf32, #tpu.memory_space<vmem_shared>>)
      tpu.yield
    }) : () -> ()
    %mul3A_11 = arith.constant 640 : i32
    %mul3A_12 = arith.muli %arg1, %mul3A_11 : i32
    %add3A_13 = arith.constant 128 : i32
    %add3A_14 = arith.addi %mul3A_12, %add3A_13 : i32
    "tpu.region"() ({
      %run_scoped3A = tpu.sem_alloc : memref<!tpu.dma_semaphore, #tpu.memory_space<semaphore_mem>>
      %dma_start3A = arith.constant 0 : i32
      %dma_start3A_38 = tpu.memref_slice %arg9[%add3A_14, %dma_start3A] : memref<10240x96xf32, #tpu.memory_space<vmem_shared>> -> memref<128x96xf32, #tpu.memory_space<vmem_shared>>
      %dma_start3A_39 = arith.constant 0 : i32
      %dma_start3A_40 = tpu.memref_slice %arg9[%add3A_14, %dma_start3A_39] : memref<10240x96xf32, #tpu.memory_space<vmem_shared>> -> memref<128x96xf32, #tpu.memory_space<vmem_shared>>
      tpu.enqueue_dma source(%arg8 : memref<128x96xf32, #tpu.memory_space<vmem>>) target(%dma_start3A_40 : memref<128x96xf32, #tpu.memory_space<vmem_shared>>) target_semaphore(%run_scoped3A : memref<!tpu.dma_semaphore, #tpu.memory_space<semaphore_mem>>)
      %dma_wait3A = arith.constant 0 : i32
      %dma_wait3A_41 = tpu.memref_slice %arg9[%add3A_14, %dma_wait3A] : memref<10240x96xf32, #tpu.memory_space<vmem_shared>> -> memref<128x96xf32, #tpu.memory_space<vmem_shared>>
      %dma_wait3A_42 = arith.constant 0 : i32
      %dma_wait3A_43 = tpu.memref_slice %arg9[%add3A_14, %dma_wait3A_42] : memref<10240x96xf32, #tpu.memory_space<vmem_shared>> -> memref<128x96xf32, #tpu.memory_space<vmem_shared>>
      tpu.wait_dma2 semaphore(%run_scoped3A : memref<!tpu.dma_semaphore, #tpu.memory_space<semaphore_mem>>) src(%arg8 : memref<128x96xf32, #tpu.memory_space<vmem>>) dst(%dma_wait3A_43 : memref<128x96xf32, #tpu.memory_space<vmem_shared>>)
      tpu.yield
    }) : () -> ()
    %mul3A_15 = arith.constant 640 : i32
    %mul3A_16 = arith.muli %arg1, %mul3A_15 : i32
    %add3A_17 = arith.constant 256 : i32
    %add3A_18 = arith.addi %mul3A_16, %add3A_17 : i32
    "tpu.region"() ({
      %run_scoped3A = tpu.sem_alloc : memref<!tpu.dma_semaphore, #tpu.memory_space<semaphore_mem>>
      %dma_start3A = arith.constant 0 : i32
      %dma_start3A_38 = tpu.memref_slice %arg9[%add3A_18, %dma_start3A] : memref<10240x96xf32, #tpu.memory_space<vmem_shared>> -> memref<128x96xf32, #tpu.memory_space<vmem_shared>>
      %dma_start3A_39 = arith.constant 0 : i32
      %dma_start3A_40 = tpu.memref_slice %arg9[%add3A_18, %dma_start3A_39] : memref<10240x96xf32, #tpu.memory_space<vmem_shared>> -> memref<128x96xf32, #tpu.memory_space<vmem_shared>>
      tpu.enqueue_dma source(%arg8 : memref<128x96xf32, #tpu.memory_space<vmem>>) target(%dma_start3A_40 : memref<128x96xf32, #tpu.memory_space<vmem_shared>>) target_semaphore(%run_scoped3A : memref<!tpu.dma_semaphore, #tpu.memory_space<semaphore_mem>>)
      %dma_wait3A = arith.constant 0 : i32
      %dma_wait3A_41 = tpu.memref_slice %arg9[%add3A_18, %dma_wait3A] : memref<10240x96xf32, #tpu.memory_space<vmem_shared>> -> memref<128x96xf32, #tpu.memory_space<vmem_shared>>
      %dma_wait3A_42 = arith.constant 0 : i32
      %dma_wait3A_43 = tpu.memref_slice %arg9[%add3A_18, %dma_wait3A_42] : memref<10240x96xf32, #tpu.memory_space<vmem_shared>> -> memref<128x96xf32, #tpu.memory_space<vmem_shared>>
      tpu.wait_dma2 semaphore(%run_scoped3A : memref<!tpu.dma_semaphore, #tpu.memory_space<semaphore_mem>>) src(%arg8 : memref<128x96xf32, #tpu.memory_space<vmem>>) dst(%dma_wait3A_43 : memref<128x96xf32, #tpu.memory_space<vmem_shared>>)
      tpu.yield
    }) : () -> ()
    %mul3A_19 = arith.constant 640 : i32
    %mul3A_20 = arith.muli %arg1, %mul3A_19 : i32
    %add3A_21 = arith.constant 384 : i32
    %add3A_22 = arith.addi %mul3A_20, %add3A_21 : i32
    "tpu.region"() ({
      %run_scoped3A = tpu.sem_alloc : memref<!tpu.dma_semaphore, #tpu.memory_space<semaphore_mem>>
      %dma_start3A = arith.constant 0 : i32
      %dma_start3A_38 = tpu.memref_slice %arg9[%add3A_22, %dma_start3A] : memref<10240x96xf32, #tpu.memory_space<vmem_shared>> -> memref<128x96xf32, #tpu.memory_space<vmem_shared>>
      %dma_start3A_39 = arith.constant 0 : i32
      %dma_start3A_40 = tpu.memref_slice %arg9[%add3A_22, %dma_start3A_39] : memref<10240x96xf32, #tpu.memory_space<vmem_shared>> -> memref<128x96xf32, #tpu.memory_space<vmem_shared>>
      tpu.enqueue_dma source(%arg8 : memref<128x96xf32, #tpu.memory_space<vmem>>) target(%dma_start3A_40 : memref<128x96xf32, #tpu.memory_space<vmem_shared>>) target_semaphore(%run_scoped3A : memref<!tpu.dma_semaphore, #tpu.memory_space<semaphore_mem>>)
      %dma_wait3A = arith.constant 0 : i32
      %dma_wait3A_41 = tpu.memref_slice %arg9[%add3A_22, %dma_wait3A] : memref<10240x96xf32, #tpu.memory_space<vmem_shared>> -> memref<128x96xf32, #tpu.memory_space<vmem_shared>>
      %dma_wait3A_42 = arith.constant 0 : i32
      %dma_wait3A_43 = tpu.memref_slice %arg9[%add3A_22, %dma_wait3A_42] : memref<10240x96xf32, #tpu.memory_space<vmem_shared>> -> memref<128x96xf32, #tpu.memory_space<vmem_shared>>
      tpu.wait_dma2 semaphore(%run_scoped3A : memref<!tpu.dma_semaphore, #tpu.memory_space<semaphore_mem>>) src(%arg8 : memref<128x96xf32, #tpu.memory_space<vmem>>) dst(%dma_wait3A_43 : memref<128x96xf32, #tpu.memory_space<vmem_shared>>)
      tpu.yield
    }) : () -> ()
    %mul3A_23 = arith.constant 640 : i32
    %mul3A_24 = arith.muli %arg1, %mul3A_23 : i32
    %add3A_25 = arith.constant 512 : i32
    %add3A_26 = arith.addi %mul3A_24, %add3A_25 : i32
    "tpu.region"() ({
      %run_scoped3A = tpu.sem_alloc : memref<!tpu.dma_semaphore, #tpu.memory_space<semaphore_mem>>
      %dma_start3A = arith.constant 0 : i32
      %dma_start3A_38 = tpu.memref_slice %arg9[%add3A_26, %dma_start3A] : memref<10240x96xf32, #tpu.memory_space<vmem_shared>> -> memref<128x96xf32, #tpu.memory_space<vmem_shared>>
      %dma_start3A_39 = arith.constant 0 : i32
      %dma_start3A_40 = tpu.memref_slice %arg9[%add3A_26, %dma_start3A_39] : memref<10240x96xf32, #tpu.memory_space<vmem_shared>> -> memref<128x96xf32, #tpu.memory_space<vmem_shared>>
      tpu.enqueue_dma source(%arg8 : memref<128x96xf32, #tpu.memory_space<vmem>>) target(%dma_start3A_40 : memref<128x96xf32, #tpu.memory_space<vmem_shared>>) target_semaphore(%run_scoped3A : memref<!tpu.dma_semaphore, #tpu.memory_space<semaphore_mem>>)
      %dma_wait3A = arith.constant 0 : i32
      %dma_wait3A_41 = tpu.memref_slice %arg9[%add3A_26, %dma_wait3A] : memref<10240x96xf32, #tpu.memory_space<vmem_shared>> -> memref<128x96xf32, #tpu.memory_space<vmem_shared>>
      %dma_wait3A_42 = arith.constant 0 : i32
      %dma_wait3A_43 = tpu.memref_slice %arg9[%add3A_26, %dma_wait3A_42] : memref<10240x96xf32, #tpu.memory_space<vmem_shared>> -> memref<128x96xf32, #tpu.memory_space<vmem_shared>>
      tpu.wait_dma2 semaphore(%run_scoped3A : memref<!tpu.dma_semaphore, #tpu.memory_space<semaphore_mem>>) src(%arg8 : memref<128x96xf32, #tpu.memory_space<vmem>>) dst(%dma_wait3A_43 : memref<128x96xf32, #tpu.memory_space<vmem_shared>>)
      tpu.yield
    }) : () -> ()
    %barrier3A = arith.constant 0 : index
    tpu.barrier barrier_id(%barrier3A)
    %scan3A_27 = arith.constant 0 : i32
    %scan3A_28 = arith.constant 0 : i32
    %scan3A_29 = arith.constant 40 : i32
    %scan3A_30 = arith.addi %scan3A_28, %scan3A_29 : i32
    %scan3A_31 = arith.constant 1 : i32
    scf.for %scan3A_38 = %scan3A_28 to %scan3A_30 step %scan3A_31  : i32 {
      %mul3A_39 = arith.constant 5120 : i32
      %mul3A_40 = arith.muli %add3A, %mul3A_39 : i32
      %mul3A_41 = arith.constant 128 : i32
      %mul3A_42 = arith.muli %scan3A_38, %mul3A_41 : i32
      %add3A_43 = arith.addi %mul3A_40, %mul3A_42 : i32
      "tpu.region"() ({
        %run_scoped3A = tpu.sem_alloc : memref<!tpu.dma_semaphore, #tpu.memory_space<semaphore_mem>>
        %dma_start3A_48 = tpu.memref_slice %arg3[%add3A_43] : memref<163840xi32, #tpu.memory_space<hbm>> -> memref<128xi32, #tpu.memory_space<hbm>>
        %dma_start3A_49 = tpu.memref_slice %arg3[%add3A_43] : memref<163840xi32, #tpu.memory_space<hbm>> -> memref<128xi32, #tpu.memory_space<hbm>>
        tpu.enqueue_dma source(%dma_start3A_49 : memref<128xi32, #tpu.memory_space<hbm>>) target(%arg6 : memref<128xi32, #tpu.memory_space<vmem>>) target_semaphore(%run_scoped3A : memref<!tpu.dma_semaphore, #tpu.memory_space<semaphore_mem>>)
        %dma_wait3A_50 = tpu.memref_slice %arg3[%add3A_43] : memref<163840xi32, #tpu.memory_space<hbm>> -> memref<128xi32, #tpu.memory_space<hbm>>
        %dma_wait3A_51 = tpu.memref_slice %arg3[%add3A_43] : memref<163840xi32, #tpu.memory_space<hbm>> -> memref<128xi32, #tpu.memory_space<hbm>>
        tpu.wait_dma2 semaphore(%run_scoped3A : memref<!tpu.dma_semaphore, #tpu.memory_space<semaphore_mem>>) src(%dma_wait3A_51 : memref<128xi32, #tpu.memory_space<hbm>>) dst(%arg6 : memref<128xi32, #tpu.memory_space<vmem>>)
        tpu.yield
      }) : () -> ()
      "tpu.region"() ({
        %run_scoped3A = tpu.sem_alloc : memref<!tpu.dma_semaphore, #tpu.memory_space<semaphore_mem>>
        %dma_start3A_48 = tpu.memref_slice %arg4[%add3A_43] : memref<163840xi32, #tpu.memory_space<hbm>> -> memref<128xi32, #tpu.memory_space<hbm>>
        %dma_start3A_49 = tpu.memref_slice %arg4[%add3A_43] : memref<163840xi32, #tpu.memory_space<hbm>> -> memref<128xi32, #tpu.memory_space<hbm>>
        tpu.enqueue_dma source(%dma_start3A_49 : memref<128xi32, #tpu.memory_space<hbm>>) target(%arg7 : memref<128xi32, #tpu.memory_space<vmem>>) target_semaphore(%run_scoped3A : memref<!tpu.dma_semaphore, #tpu.memory_space<semaphore_mem>>)
        %dma_wait3A_50 = tpu.memref_slice %arg4[%add3A_43] : memref<163840xi32, #tpu.memory_space<hbm>> -> memref<128xi32, #tpu.memory_space<hbm>>
        %dma_wait3A_51 = tpu.memref_slice %arg4[%add3A_43] : memref<163840xi32, #tpu.memory_space<hbm>> -> memref<128xi32, #tpu.memory_space<hbm>>
        tpu.wait_dma2 semaphore(%run_scoped3A : memref<!tpu.dma_semaphore, #tpu.memory_space<semaphore_mem>>) src(%dma_wait3A_51 : memref<128xi32, #tpu.memory_space<hbm>>) dst(%arg7 : memref<128xi32, #tpu.memory_space<vmem>>)
        tpu.yield
      }) : () -> ()
      %dma_start3A = arith.constant 0 : i32
      %dma_start3A_44 = arith.constant 0 : i32
      %dma_start3A_45 = tpu.memref_slice %arg2[%dma_start3A, %dma_start3A_44] : memref<10240x96xf32, #tpu.memory_space<hbm>> -> memref<10240x96xf32, #tpu.memory_space<hbm>>
      tpu.enqueue_indirect_dma source(%dma_start3A_45 : memref<10240x96xf32, #tpu.memory_space<hbm>>) target(%arg8 : memref<128x96xf32, #tpu.memory_space<vmem>>) offsets(%arg6 : memref<128xi32, #tpu.memory_space<vmem>>) semaphore(%arg10 : memref<!tpu.dma_semaphore, #tpu.memory_space<semaphore_mem>>)
      %dma_wait3A = arith.constant 0 : i32
      %dma_wait3A_46 = arith.constant 0 : i32
      %dma_wait3A_47 = tpu.memref_slice %arg2[%dma_wait3A, %dma_wait3A_46] : memref<10240x96xf32, #tpu.memory_space<hbm>> -> memref<10240x96xf32, #tpu.memory_space<hbm>>
      tpu.wait_indirect_dma semaphore(%arg10 : memref<!tpu.dma_semaphore, #tpu.memory_space<semaphore_mem>>) src(%dma_wait3A_47 : memref<10240x96xf32, #tpu.memory_space<hbm>>) dst(%arg8 : memref<128x96xf32, #tpu.memory_space<vmem>>)
      "tpu.region"() ({
        %run_scoped3A = tpu.sem_alloc : memref<!tpu.dma_semaphore, #tpu.memory_space<semaphore_mem>>
        %dma_start3A_48 = arith.constant 0 : i32
        %dma_start3A_49 = arith.constant 0 : i32
        %dma_start3A_50 = tpu.memref_slice %arg9[%dma_start3A_48, %dma_start3A_49] : memref<10240x96xf32, #tpu.memory_space<vmem_shared>> -> memref<10240x96xf32, #tpu.memory_space<vmem_shared>>
        tpu.enqueue_indirect_dma source(%arg8 : memref<128x96xf32, #tpu.memory_space<vmem>>) target(%dma_start3A_50 : memref<10240x96xf32, #tpu.memory_space<vmem_shared>>) offsets(%arg7 : memref<128xi32, #tpu.memory_space<vmem>>) semaphore(%run_scoped3A : memref<!tpu.dma_semaphore, #tpu.memory_space<semaphore_mem>>) {add = true}
        %dma_wait3A_51 = arith.constant 0 : i32
        %dma_wait3A_52 = arith.constant 0 : i32
        %dma_wait3A_53 = tpu.memref_slice %arg9[%dma_wait3A_51, %dma_wait3A_52] : memref<10240x96xf32, #tpu.memory_space<vmem_shared>> -> memref<10240x96xf32, #tpu.memory_space<vmem_shared>>
        tpu.wait_indirect_dma semaphore(%run_scoped3A : memref<!tpu.dma_semaphore, #tpu.memory_space<semaphore_mem>>) src(%arg8 : memref<128x96xf32, #tpu.memory_space<vmem>>) dst(%dma_wait3A_53 : memref<10240x96xf32, #tpu.memory_space<vmem_shared>>)
        tpu.yield
      }) : () -> ()
    }
    %scan3A_32 = arith.constant 40 : i32
    %barrier3A_33 = arith.constant 0 : index
    tpu.barrier barrier_id(%barrier3A_33)
    %mul3A_34 = arith.constant 640 : i32
    %mul3A_35 = arith.muli %arg1, %mul3A_34 : i32
    %mul3A_36 = arith.constant 640 : i32
    %mul3A_37 = arith.muli %arg1, %mul3A_36 : i32
    "tpu.region"() ({
      %run_scoped3A = tpu.sem_alloc : memref<!tpu.dma_semaphore, #tpu.memory_space<semaphore_mem>>
      %dma_start3A = arith.constant 0 : i32
      %dma_start3A_38 = tpu.memref_slice %arg5[%arg0, %mul3A_37, %dma_start3A] : memref<2x10240x96xf32, #tpu.memory_space<hbm>> -> memref<1x640x96xf32, #tpu.memory_space<hbm>>
      %dma_start3A_39 = tpu.memref_squeeze %dma_start3A_38 : memref<1x640x96xf32, #tpu.memory_space<hbm>> -> memref<640x96xf32, #tpu.memory_space<hbm>>
      %dma_start3A_40 = arith.constant 0 : i32
      %dma_start3A_41 = tpu.memref_slice %arg9[%mul3A_35, %dma_start3A_40] : memref<10240x96xf32, #tpu.memory_space<vmem_shared>> -> memref<640x96xf32, #tpu.memory_space<vmem_shared>>
      tpu.enqueue_dma source(%dma_start3A_41 : memref<640x96xf32, #tpu.memory_space<vmem_shared>>) target(%dma_start3A_39 : memref<640x96xf32, #tpu.memory_space<hbm>>) target_semaphore(%run_scoped3A : memref<!tpu.dma_semaphore, #tpu.memory_space<semaphore_mem>>)
      %dma_wait3A = arith.constant 0 : i32
      %dma_wait3A_42 = tpu.memref_slice %arg5[%arg0, %mul3A_37, %dma_wait3A] : memref<2x10240x96xf32, #tpu.memory_space<hbm>> -> memref<1x640x96xf32, #tpu.memory_space<hbm>>
      %dma_wait3A_43 = tpu.memref_squeeze %dma_wait3A_42 : memref<1x640x96xf32, #tpu.memory_space<hbm>> -> memref<640x96xf32, #tpu.memory_space<hbm>>
      %dma_wait3A_44 = arith.constant 0 : i32
      %dma_wait3A_45 = tpu.memref_slice %arg9[%mul3A_35, %dma_wait3A_44] : memref<10240x96xf32, #tpu.memory_space<vmem_shared>> -> memref<640x96xf32, #tpu.memory_space<vmem_shared>>
      tpu.wait_dma2 semaphore(%run_scoped3A : memref<!tpu.dma_semaphore, #tpu.memory_space<semaphore_mem>>) src(%dma_wait3A_45 : memref<640x96xf32, #tpu.memory_space<vmem_shared>>) dst(%dma_wait3A_43 : memref<640x96xf32, #tpu.memory_space<hbm>>)
      tpu.yield
    }) : () -> ()
    return
  }
}

module attributes {stable_mosaic.version = 14 : i64} {
  func.func @_scale_body(%arg0: i32, %arg1: memref<2048x16xf32, #tpu.memory_space<vmem>>, %arg2: memref<2048x16xf32, #tpu.memory_space<vmem>>, %arg3: memref<2048x192xf32, #tpu.memory_space<vmem>>, %arg4: memref<2048x96xf32, #tpu.memory_space<vmem>>, %arg5: memref<2048x96xf32, #tpu.memory_space<vmem>>) attributes {dimension_semantics = [#tpu.dimension_semantics<arbitrary>], iteration_bounds = array<i64: 5>, scalar_prefetch = 0 : i64, scratch_operands = 0 : i64, tpu.core_type = #tpu.core_type<tc>, window_params = [{transform_indices = @transform_0, window_bounds = array<i64: 2048, 16>}, {transform_indices = @transform_1, window_bounds = array<i64: 2048, 16>}, {transform_indices = @transform_2, window_bounds = array<i64: 2048, 192>}, {transform_indices = @transform_3, window_bounds = array<i64: 2048, 96>}, {transform_indices = @transform_4, window_bounds = array<i64: 2048, 96>}]} {
    %get3A = arith.constant 0 : index
    %get3A_0 = arith.constant 0 : index
    %get3A_1 = vector.load %arg1[%get3A, %get3A_0] : memref<2048x16xf32, #tpu.memory_space<vmem>>, vector<2048x1xf32>
    %get3A_2 = arith.constant 0 : index
    %get3A_3 = arith.constant 0 : index
    %get3A_4 = vector.load %arg2[%get3A_2, %get3A_3] : memref<2048x16xf32, #tpu.memory_space<vmem>>, vector<2048x1xf32>
    %add3A = arith.addf %get3A_1, %get3A_4 : vector<2048x1xf32>
    %add3A_5 = arith.constant 1.000000e+00 : f32
    %add3A_6 = vector.broadcast %add3A_5 : f32 to vector<2048x1xf32>
    %add3A_7 = arith.addf %add3A, %add3A_6 : vector<2048x1xf32>
    %rsqrt3A = math.rsqrt %add3A_7 : vector<2048x1xf32>
    %get3A_8 = arith.constant 0 : index
    %get3A_9 = arith.constant 0 : index
    %get3A_10 = vector.load %arg3[%get3A_8, %get3A_9] : memref<2048x192xf32, #tpu.memory_space<vmem>>, vector<2048x192xf32>
    %mul3A = vector.broadcast %rsqrt3A : vector<2048x1xf32> to vector<2048x192xf32>
    %mul3A_11 = arith.mulf %get3A_10, %mul3A : vector<2048x192xf32>
    %slice3A = vector.extract_strided_slice %mul3A_11 {offsets = [0, 0], sizes = [2048, 96], strides = [1, 1]} : vector<2048x192xf32> to vector<2048x96xf32>
    %swap3A = arith.constant 0 : index
    %swap3A_12 = arith.constant 0 : index
    %swap3A_13 = vector.load %arg4[%swap3A, %swap3A_12] : memref<2048x96xf32, #tpu.memory_space<vmem>>, vector<2048x96xf32>
    tpu.vector_store %arg4[%swap3A, %swap3A_12], %slice3A {strides = array<i32>} : memref<2048x96xf32, #tpu.memory_space<vmem>>, vector<2048x96xf32>,
    %slice3A_14 = vector.extract_strided_slice %mul3A_11 {offsets = [0, 96], sizes = [2048, 96], strides = [1, 1]} : vector<2048x192xf32> to vector<2048x96xf32>
    %swap3A_15 = arith.constant 0 : index
    %swap3A_16 = arith.constant 0 : index
    %swap3A_17 = vector.load %arg5[%swap3A_15, %swap3A_16] : memref<2048x96xf32, #tpu.memory_space<vmem>>, vector<2048x96xf32>
    tpu.vector_store %arg5[%swap3A_15, %swap3A_16], %slice3A_14 {strides = array<i32>} : memref<2048x96xf32, #tpu.memory_space<vmem>>, vector<2048x96xf32>,
    return
  }
  func.func @transform_0(%arg0: i32) -> (i32, i32) {
    %c0_i32 = arith.constant 0 : i32
    %c0_i32_0 = arith.constant 0 : i32
    return %arg0, %c0_i32 : i32, i32
  }
  func.func @transform_1(%arg0: i32) -> (i32, i32) {
    %c0_i32 = arith.constant 0 : i32
    %c0_i32_0 = arith.constant 0 : i32
    return %arg0, %c0_i32 : i32, i32
  }
  func.func @transform_2(%arg0: i32) -> (i32, i32) {
    %c0_i32 = arith.constant 0 : i32
    %c0_i32_0 = arith.constant 0 : i32
    return %arg0, %c0_i32 : i32, i32
  }
  func.func @transform_3(%arg0: i32) -> (i32, i32) {
    %c0_i32 = arith.constant 0 : i32
    %c0_i32_0 = arith.constant 0 : i32
    return %arg0, %c0_i32 : i32, i32
  }
  func.func @transform_4(%arg0: i32) -> (i32, i32) {
    %c0_i32 = arith.constant 0 : i32
    %c0_i32_0 = arith.constant 0 : i32
    return %arg0, %c0_i32 : i32, i32
  }
}

module attributes {stable_mosaic.version = 14 : i64} {
  func.func @_dense_body(%arg0: i32, %arg1: memref<1024x96xf32, #tpu.memory_space<vmem>>, %arg2: memref<1024x96xf32, #tpu.memory_space<vmem>>, %arg3: memref<1024x96xf32, #tpu.memory_space<vmem>>, %arg4: memref<1024x96xf32, #tpu.memory_space<vmem>>, %arg5: memref<1024x96xf32, #tpu.memory_space<vmem>>, %arg6: memref<1024x96xf32, #tpu.memory_space<vmem>>, %arg7: memref<1024x16xf32, #tpu.memory_space<vmem>>, %arg8: memref<1024x16xf32, #tpu.memory_space<vmem>>, %arg9: memref<16x512xf32, #tpu.memory_space<vmem>>, %arg10: memref<1x512xf32, #tpu.memory_space<vmem>>, %arg11: memref<256x96xf32, #tpu.memory_space<vmem>>, %arg12: memref<1x96xf32, #tpu.memory_space<vmem>>, %arg13: memref<1x12xf32, #tpu.memory_space<smem>>, %arg14: memref<1024x96xf32, #tpu.memory_space<vmem>>) attributes {dimension_semantics = [#tpu.dimension_semantics<arbitrary>], iteration_bounds = array<i64: 10>, scalar_prefetch = 0 : i64, scratch_operands = 0 : i64, tpu.core_type = #tpu.core_type<tc>, window_params = [{transform_indices = @transform_0, window_bounds = array<i64: 1024, 96>}, {transform_indices = @transform_1, window_bounds = array<i64: 1024, 96>}, {transform_indices = @transform_2, window_bounds = array<i64: 1024, 96>}, {transform_indices = @transform_3, window_bounds = array<i64: 1024, 96>}, {transform_indices = @transform_4, window_bounds = array<i64: 1024, 96>}, {transform_indices = @transform_5, window_bounds = array<i64: 1024, 96>}, {transform_indices = @transform_6, window_bounds = array<i64: 1024, 16>}, {transform_indices = @transform_7, window_bounds = array<i64: 1024, 16>}, {pipeline_mode = #tpu.pipeline_mode<synchronous>, transform_indices = @transform_8, window_bounds = array<i64: 16, 512>}, {pipeline_mode = #tpu.pipeline_mode<synchronous>, transform_indices = @transform_9, window_bounds = array<i64: 1, 512>}, {pipeline_mode = #tpu.pipeline_mode<synchronous>, transform_indices = @transform_10, window_bounds = array<i64: 256, 96>}, {pipeline_mode = #tpu.pipeline_mode<synchronous>, transform_indices = @transform_11, window_bounds = array<i64: 1, 96>}, {transform_indices = @transform_12, window_bounds = array<i64: 1, 12>}, {transform_indices = @transform_13, window_bounds = array<i64: 1024, 96>}]} {
    %get3A = arith.constant 0 : index
    %get3A_0 = arith.constant 0 : index
    %get3A_1 = vector.load %arg7[%get3A, %get3A_0] : memref<1024x16xf32, #tpu.memory_space<vmem>>, vector<1024x1xf32>
    %get3A_2 = arith.constant 0 : index
    %get3A_3 = arith.constant 0 : index
    %get3A_4 = vector.load %arg8[%get3A_2, %get3A_3] : memref<1024x16xf32, #tpu.memory_space<vmem>>, vector<1024x1xf32>
    %add3A = arith.addf %get3A_1, %get3A_4 : vector<1024x1xf32>
    %add3A_5 = arith.constant 1.000000e+00 : f32
    %add3A_6 = vector.broadcast %add3A_5 : f32 to vector<1024x1xf32>
    %add3A_7 = arith.addf %add3A, %add3A_6 : vector<1024x1xf32>
    %rsqrt3A = math.rsqrt %add3A_7 : vector<1024x1xf32>
    %get3A_8 = arith.constant 0 : index
    %get3A_9 = arith.constant 0 : index
    %get3A_10 = vector.load %arg1[%get3A_8, %get3A_9] : memref<1024x96xf32, #tpu.memory_space<vmem>>, vector<1024x96xf32>
    %get3A_11 = arith.constant 0 : index
    %get3A_12 = arith.constant 0 : index
    %get3A_13 = vector.load %arg2[%get3A_11, %get3A_12] : memref<1024x96xf32, #tpu.memory_space<vmem>>, vector<1024x96xf32>
    %add3A_14 = arith.addf %get3A_10, %get3A_13 : vector<1024x96xf32>
    %get3A_15 = arith.constant 0 : index
    %get3A_16 = arith.constant 0 : index
    %get3A_17 = vector.load %arg3[%get3A_15, %get3A_16] : memref<1024x96xf32, #tpu.memory_space<vmem>>, vector<1024x96xf32>
    %add3A_18 = arith.addf %add3A_14, %get3A_17 : vector<1024x96xf32>
    %mul3A = vector.broadcast %rsqrt3A : vector<1024x1xf32> to vector<1024x96xf32>
    %mul3A_19 = arith.mulf %add3A_18, %mul3A : vector<1024x96xf32>
    %get3A_20 = arith.constant 0 : index
    %get3A_21 = arith.constant 0 : index
    %get3A_22 = vector.load %arg4[%get3A_20, %get3A_21] : memref<1024x96xf32, #tpu.memory_space<vmem>>, vector<1024x96xf32>
    %get3A_23 = arith.constant 0 : index
    %get3A_24 = arith.constant 0 : index
    %get3A_25 = vector.load %arg5[%get3A_23, %get3A_24] : memref<1024x96xf32, #tpu.memory_space<vmem>>, vector<1024x96xf32>
    %add3A_26 = arith.addf %get3A_22, %get3A_25 : vector<1024x96xf32>
    %get3A_27 = arith.constant 0 : index
    %get3A_28 = arith.constant 0 : index
    %get3A_29 = vector.load %arg6[%get3A_27, %get3A_28] : memref<1024x96xf32, #tpu.memory_space<vmem>>, vector<1024x96xf32>
    %add3A_30 = arith.addf %add3A_26, %get3A_29 : vector<1024x96xf32>
    %mul3A_31 = vector.broadcast %rsqrt3A : vector<1024x1xf32> to vector<1024x96xf32>
    %mul3A_32 = arith.mulf %add3A_30, %mul3A_31 : vector<1024x96xf32>
    %get3A_33 = arith.constant 0 : index
    %get3A_34 = arith.constant 0 : index
    %get3A_35 = memref.load %arg13[%get3A_33, %get3A_34] : memref<1x12xf32, #tpu.memory_space<smem>>
    %get3A_36 = arith.constant 0 : index
    %get3A_37 = arith.constant 1 : index
    %get3A_38 = memref.load %arg13[%get3A_36, %get3A_37] : memref<1x12xf32, #tpu.memory_space<smem>>
    %get3A_39 = arith.constant 0 : index
    %get3A_40 = arith.constant 2 : index
    %get3A_41 = memref.load %arg13[%get3A_39, %get3A_40] : memref<1x12xf32, #tpu.memory_space<smem>>
    %get3A_42 = arith.constant 0 : index
    %get3A_43 = arith.constant 3 : index
    %get3A_44 = memref.load %arg13[%get3A_42, %get3A_43] : memref<1x12xf32, #tpu.memory_space<smem>>
    %get3A_45 = arith.constant 0 : index
    %get3A_46 = arith.constant 4 : index
    %get3A_47 = memref.load %arg13[%get3A_45, %get3A_46] : memref<1x12xf32, #tpu.memory_space<smem>>
    %get3A_48 = arith.constant 0 : index
    %get3A_49 = arith.constant 5 : index
    %get3A_50 = memref.load %arg13[%get3A_48, %get3A_49] : memref<1x12xf32, #tpu.memory_space<smem>>
    %get3A_51 = arith.constant 0 : index
    %get3A_52 = arith.constant 6 : index
    %get3A_53 = memref.load %arg13[%get3A_51, %get3A_52] : memref<1x12xf32, #tpu.memory_space<smem>>
    %get3A_54 = arith.constant 0 : index
    %get3A_55 = arith.constant 7 : index
    %get3A_56 = memref.load %arg13[%get3A_54, %get3A_55] : memref<1x12xf32, #tpu.memory_space<smem>>
    %get3A_57 = arith.constant 0 : index
    %get3A_58 = arith.constant 8 : index
    %get3A_59 = memref.load %arg13[%get3A_57, %get3A_58] : memref<1x12xf32, #tpu.memory_space<smem>>
    %get3A_60 = arith.constant 0 : index
    %get3A_61 = arith.constant 9 : index
    %get3A_62 = memref.load %arg13[%get3A_60, %get3A_61] : memref<1x12xf32, #tpu.memory_space<smem>>
    %get3A_63 = arith.constant 0 : index
    %get3A_64 = arith.constant 10 : index
    %get3A_65 = memref.load %arg13[%get3A_63, %get3A_64] : memref<1x12xf32, #tpu.memory_space<smem>>
    %get3A_66 = arith.constant 0 : index
    %get3A_67 = arith.constant 11 : index
    %get3A_68 = memref.load %arg13[%get3A_66, %get3A_67] : memref<1x12xf32, #tpu.memory_space<smem>>
    %max3A = arith.maximumf %get3A_35, %get3A_38 : f32
    %max3A_69 = arith.maximumf %max3A, %get3A_41 : f32
    %max3A_70 = arith.maximumf %max3A_69, %get3A_44 : f32
    %max3A_71 = arith.maximumf %max3A_70, %get3A_47 : f32
    %max3A_72 = arith.maximumf %max3A_71, %get3A_50 : f32
    %max3A_73 = arith.maximumf %max3A_72, %get3A_53 : f32
    %max3A_74 = arith.maximumf %max3A_73, %get3A_56 : f32
    %max3A_75 = arith.maximumf %max3A_74, %get3A_59 : f32
    %max3A_76 = arith.maximumf %max3A_75, %get3A_62 : f32
    %max3A_77 = arith.maximumf %max3A_76, %get3A_65 : f32
    %max3A_78 = arith.maximumf %max3A_77, %get3A_68 : f32
    %sub3A = arith.subf %get3A_35, %max3A_78 : f32
    %exp3A = math.exp %sub3A : f32
    %sub3A_79 = arith.subf %get3A_38, %max3A_78 : f32
    %exp3A_80 = math.exp %sub3A_79 : f32
    %sub3A_81 = arith.subf %get3A_41, %max3A_78 : f32
    %exp3A_82 = math.exp %sub3A_81 : f32
    %sub3A_83 = arith.subf %get3A_44, %max3A_78 : f32
    %exp3A_84 = math.exp %sub3A_83 : f32
    %sub3A_85 = arith.subf %get3A_47, %max3A_78 : f32
    %exp3A_86 = math.exp %sub3A_85 : f32
    %sub3A_87 = arith.subf %get3A_50, %max3A_78 : f32
    %exp3A_88 = math.exp %sub3A_87 : f32
    %sub3A_89 = arith.subf %get3A_53, %max3A_78 : f32
    %exp3A_90 = math.exp %sub3A_89 : f32
    %sub3A_91 = arith.subf %get3A_56, %max3A_78 : f32
    %exp3A_92 = math.exp %sub3A_91 : f32
    %sub3A_93 = arith.subf %get3A_59, %max3A_78 : f32
    %exp3A_94 = math.exp %sub3A_93 : f32
    %sub3A_95 = arith.subf %get3A_62, %max3A_78 : f32
    %exp3A_96 = math.exp %sub3A_95 : f32
    %sub3A_97 = arith.subf %get3A_65, %max3A_78 : f32
    %exp3A_98 = math.exp %sub3A_97 : f32
    %sub3A_99 = arith.subf %get3A_68, %max3A_78 : f32
    %exp3A_100 = math.exp %sub3A_99 : f32
    %add3A_101 = arith.addf %exp3A, %exp3A_80 : f32
    %add3A_102 = arith.addf %add3A_101, %exp3A_82 : f32
    %add3A_103 = arith.addf %add3A_102, %exp3A_84 : f32
    %add3A_104 = arith.addf %add3A_103, %exp3A_86 : f32
    %add3A_105 = arith.addf %add3A_104, %exp3A_88 : f32
    %add3A_106 = arith.addf %add3A_105, %exp3A_90 : f32
    %add3A_107 = arith.addf %add3A_106, %exp3A_92 : f32
    %add3A_108 = arith.addf %add3A_107, %exp3A_94 : f32
    %add3A_109 = arith.addf %add3A_108, %exp3A_96 : f32
    %add3A_110 = arith.addf %add3A_109, %exp3A_98 : f32
    %add3A_111 = arith.addf %add3A_110, %exp3A_100 : f32
    %div3A = arith.divf %exp3A, %add3A_111 : f32
    %div3A_112 = arith.divf %exp3A_80, %add3A_111 : f32
    %div3A_113 = arith.divf %exp3A_82, %add3A_111 : f32
    %div3A_114 = arith.divf %exp3A_84, %add3A_111 : f32
    %div3A_115 = arith.divf %exp3A_86, %add3A_111 : f32
    %div3A_116 = arith.divf %exp3A_88, %add3A_111 : f32
    %div3A_117 = arith.divf %exp3A_90, %add3A_111 : f32
    %div3A_118 = arith.divf %exp3A_92, %add3A_111 : f32
    %div3A_119 = arith.divf %exp3A_94, %add3A_111 : f32
    %div3A_120 = arith.divf %exp3A_96, %add3A_111 : f32
    %div3A_121 = arith.divf %exp3A_98, %add3A_111 : f32
    %div3A_122 = arith.divf %exp3A_100, %add3A_111 : f32
    %get3A_123 = arith.constant 0 : index
    %get3A_124 = arith.constant 0 : index
    %get3A_125 = vector.load %arg9[%get3A_123, %get3A_124] : memref<16x512xf32, #tpu.memory_space<vmem>>, vector<16x512xf32>
    %get3A_126 = arith.constant 0 : index
    %get3A_127 = arith.constant 0 : index
    %get3A_128 = vector.load %arg10[%get3A_126, %get3A_127] : memref<1x512xf32, #tpu.memory_space<vmem>>, vector<1x512xf32>
    %broadcast_in_dim3A = arith.constant 0.000000e+00 : f32
    %broadcast_in_dim3A_129 = vector.broadcast %broadcast_in_dim3A : f32 to vector<1024x256xf32>
    %slice3A = vector.extract_strided_slice %mul3A_19 {offsets = [0, 0], sizes = [1024, 8], strides = [1, 1]} : vector<1024x96xf32> to vector<1024x8xf32>
    %slice3A_130 = vector.extract_strided_slice %mul3A_32 {offsets = [0, 0], sizes = [1024, 8], strides = [1, 1]} : vector<1024x96xf32> to vector<1024x8xf32>
    %concatenate3A = tpu.concatenate %slice3A, %slice3A_130 in 1 : vector<1024x8xf32>, vector<1024x8xf32> -> vector<1024x16xf32>
    %dot_general3A = arith.constant dense<0.000000e+00> : vector<1024x512xf32>
    %dot_general3A_131 = tpu.matmul %concatenate3A, %get3A_125, %dot_general3A {dimension_numbers = #tpu.dot_dimension_numbers<[1], [0], [0], [1], [0, 0, 1, 1], [], []>, transpose_lhs_hint = false} : vector<1024x16xf32>, vector<16x512xf32>, vector<1024x512xf32> -> vector<1024x512xf32>
    %add3A_132 = vector.broadcast %get3A_128 : vector<1x512xf32> to vector<1024x512xf32>
    %add3A_133 = arith.addf %dot_general3A_131, %add3A_132 : vector<1024x512xf32>
    %slice3A_134 = vector.extract_strided_slice %add3A_133 {offsets = [0, 0], sizes = [1024, 256], strides = [1, 1]} : vector<1024x512xf32> to vector<1024x256xf32>
    %neg3A = arith.constant 0.000000e+00 : f32
    %neg3A_135 = vector.broadcast %neg3A : f32 to vector<1024x256xf32>
    %neg3A_136 = arith.subf %neg3A_135, %slice3A_134 : vector<1024x256xf32>
    %exp3A_137 = math.exp %neg3A_136 : vector<1024x256xf32>
    %add3A_138 = arith.constant 1.000000e+00 : f32
    %add3A_139 = vector.broadcast %add3A_138 : f32 to vector<1024x256xf32>
    %add3A_140 = arith.addf %add3A_139, %exp3A_137 : vector<1024x256xf32>
    %div3A_141 = arith.constant 1.000000e+00 : f32
    %div3A_142 = vector.broadcast %div3A_141 : f32 to vector<1024x256xf32>
    %div3A_143 = arith.divf %div3A_142, %add3A_140 : vector<1024x256xf32>
    %slice3A_144 = vector.extract_strided_slice %add3A_133 {offsets = [0, 256], sizes = [1024, 256], strides = [1, 1]} : vector<1024x512xf32> to vector<1024x256xf32>
    %tanh3A = math.tanh %slice3A_144 : vector<1024x256xf32>
    %sub3A_145 = arith.constant 1.000000e+00 : f32
    %sub3A_146 = vector.broadcast %sub3A_145 : f32 to vector<1024x256xf32>
    %sub3A_147 = arith.subf %sub3A_146, %div3A_143 : vector<1024x256xf32>
    %mul3A_148 = arith.mulf %sub3A_147, %tanh3A : vector<1024x256xf32>
    %mul3A_149 = vector.broadcast %div3A : f32 to vector<1024x256xf32>
    %mul3A_150 = arith.mulf %mul3A_149, %mul3A_148 : vector<1024x256xf32>
    %add3A_151 = arith.addf %broadcast_in_dim3A_129, %mul3A_150 : vector<1024x256xf32>
    %slice3A_152 = vector.extract_strided_slice %mul3A_19 {offsets = [0, 8], sizes = [1024, 8], strides = [1, 1]} : vector<1024x96xf32> to vector<1024x8xf32>
    %slice3A_153 = vector.extract_strided_slice %mul3A_32 {offsets = [0, 8], sizes = [1024, 8], strides = [1, 1]} : vector<1024x96xf32> to vector<1024x8xf32>
    %concatenate3A_154 = tpu.concatenate %slice3A_152, %slice3A_153 in 1 : vector<1024x8xf32>, vector<1024x8xf32> -> vector<1024x16xf32>
    %dot_general3A_155 = arith.constant dense<0.000000e+00> : vector<1024x512xf32>
    %dot_general3A_156 = tpu.matmul %concatenate3A_154, %get3A_125, %dot_general3A_155 {dimension_numbers = #tpu.dot_dimension_numbers<[1], [0], [0], [1], [0, 0, 1, 1], [], []>, transpose_lhs_hint = false} : vector<1024x16xf32>, vector<16x512xf32>, vector<1024x512xf32> -> vector<1024x512xf32>
    %add3A_157 = vector.broadcast %get3A_128 : vector<1x512xf32> to vector<1024x512xf32>
    %add3A_158 = arith.addf %dot_general3A_156, %add3A_157 : vector<1024x512xf32>
    %slice3A_159 = vector.extract_strided_slice %add3A_158 {offsets = [0, 0], sizes = [1024, 256], strides = [1, 1]} : vector<1024x512xf32> to vector<1024x256xf32>
    %neg3A_160 = arith.constant 0.000000e+00 : f32
    %neg3A_161 = vector.broadcast %neg3A_160 : f32 to vector<1024x256xf32>
    %neg3A_162 = arith.subf %neg3A_161, %slice3A_159 : vector<1024x256xf32>
    %exp3A_163 = math.exp %neg3A_162 : vector<1024x256xf32>
    %add3A_164 = arith.constant 1.000000e+00 : f32
    %add3A_165 = vector.broadcast %add3A_164 : f32 to vector<1024x256xf32>
    %add3A_166 = arith.addf %add3A_165, %exp3A_163 : vector<1024x256xf32>
    %div3A_167 = arith.constant 1.000000e+00 : f32
    %div3A_168 = vector.broadcast %div3A_167 : f32 to vector<1024x256xf32>
    %div3A_169 = arith.divf %div3A_168, %add3A_166 : vector<1024x256xf32>
    %slice3A_170 = vector.extract_strided_slice %add3A_158 {offsets = [0, 256], sizes = [1024, 256], strides = [1, 1]} : vector<1024x512xf32> to vector<1024x256xf32>
    %tanh3A_171 = math.tanh %slice3A_170 : vector<1024x256xf32>
    %sub3A_172 = arith.constant 1.000000e+00 : f32
    %sub3A_173 = vector.broadcast %sub3A_172 : f32 to vector<1024x256xf32>
    %sub3A_174 = arith.subf %sub3A_173, %div3A_169 : vector<1024x256xf32>
    %mul3A_175 = arith.mulf %sub3A_174, %tanh3A_171 : vector<1024x256xf32>
    %mul3A_176 = vector.broadcast %div3A_112 : f32 to vector<1024x256xf32>
    %mul3A_177 = arith.mulf %mul3A_176, %mul3A_175 : vector<1024x256xf32>
    %add3A_178 = arith.addf %add3A_151, %mul3A_177 : vector<1024x256xf32>
    %slice3A_179 = vector.extract_strided_slice %mul3A_19 {offsets = [0, 16], sizes = [1024, 8], strides = [1, 1]} : vector<1024x96xf32> to vector<1024x8xf32>
    %slice3A_180 = vector.extract_strided_slice %mul3A_32 {offsets = [0, 16], sizes = [1024, 8], strides = [1, 1]} : vector<1024x96xf32> to vector<1024x8xf32>
    %concatenate3A_181 = tpu.concatenate %slice3A_179, %slice3A_180 in 1 : vector<1024x8xf32>, vector<1024x8xf32> -> vector<1024x16xf32>
    %dot_general3A_182 = arith.constant dense<0.000000e+00> : vector<1024x512xf32>
    %dot_general3A_183 = tpu.matmul %concatenate3A_181, %get3A_125, %dot_general3A_182 {dimension_numbers = #tpu.dot_dimension_numbers<[1], [0], [0], [1], [0, 0, 1, 1], [], []>, transpose_lhs_hint = false} : vector<1024x16xf32>, vector<16x512xf32>, vector<1024x512xf32> -> vector<1024x512xf32>
    %add3A_184 = vector.broadcast %get3A_128 : vector<1x512xf32> to vector<1024x512xf32>
    %add3A_185 = arith.addf %dot_general3A_183, %add3A_184 : vector<1024x512xf32>
    %slice3A_186 = vector.extract_strided_slice %add3A_185 {offsets = [0, 0], sizes = [1024, 256], strides = [1, 1]} : vector<1024x512xf32> to vector<1024x256xf32>
    %neg3A_187 = arith.constant 0.000000e+00 : f32
    %neg3A_188 = vector.broadcast %neg3A_187 : f32 to vector<1024x256xf32>
    %neg3A_189 = arith.subf %neg3A_188, %slice3A_186 : vector<1024x256xf32>
    %exp3A_190 = math.exp %neg3A_189 : vector<1024x256xf32>
    %add3A_191 = arith.constant 1.000000e+00 : f32
    %add3A_192 = vector.broadcast %add3A_191 : f32 to vector<1024x256xf32>
    %add3A_193 = arith.addf %add3A_192, %exp3A_190 : vector<1024x256xf32>
    %div3A_194 = arith.constant 1.000000e+00 : f32
    %div3A_195 = vector.broadcast %div3A_194 : f32 to vector<1024x256xf32>
    %div3A_196 = arith.divf %div3A_195, %add3A_193 : vector<1024x256xf32>
    %slice3A_197 = vector.extract_strided_slice %add3A_185 {offsets = [0, 256], sizes = [1024, 256], strides = [1, 1]} : vector<1024x512xf32> to vector<1024x256xf32>
    %tanh3A_198 = math.tanh %slice3A_197 : vector<1024x256xf32>
    %sub3A_199 = arith.constant 1.000000e+00 : f32
    %sub3A_200 = vector.broadcast %sub3A_199 : f32 to vector<1024x256xf32>
    %sub3A_201 = arith.subf %sub3A_200, %div3A_196 : vector<1024x256xf32>
    %mul3A_202 = arith.mulf %sub3A_201, %tanh3A_198 : vector<1024x256xf32>
    %mul3A_203 = vector.broadcast %div3A_113 : f32 to vector<1024x256xf32>
    %mul3A_204 = arith.mulf %mul3A_203, %mul3A_202 : vector<1024x256xf32>
    %add3A_205 = arith.addf %add3A_178, %mul3A_204 : vector<1024x256xf32>
    %slice3A_206 = vector.extract_strided_slice %mul3A_19 {offsets = [0, 24], sizes = [1024, 8], strides = [1, 1]} : vector<1024x96xf32> to vector<1024x8xf32>
    %slice3A_207 = vector.extract_strided_slice %mul3A_32 {offsets = [0, 24], sizes = [1024, 8], strides = [1, 1]} : vector<1024x96xf32> to vector<1024x8xf32>
    %concatenate3A_208 = tpu.concatenate %slice3A_206, %slice3A_207 in 1 : vector<1024x8xf32>, vector<1024x8xf32> -> vector<1024x16xf32>
    %dot_general3A_209 = arith.constant dense<0.000000e+00> : vector<1024x512xf32>
    %dot_general3A_210 = tpu.matmul %concatenate3A_208, %get3A_125, %dot_general3A_209 {dimension_numbers = #tpu.dot_dimension_numbers<[1], [0], [0], [1], [0, 0, 1, 1], [], []>, transpose_lhs_hint = false} : vector<1024x16xf32>, vector<16x512xf32>, vector<1024x512xf32> -> vector<1024x512xf32>
    %add3A_211 = vector.broadcast %get3A_128 : vector<1x512xf32> to vector<1024x512xf32>
    %add3A_212 = arith.addf %dot_general3A_210, %add3A_211 : vector<1024x512xf32>
    %slice3A_213 = vector.extract_strided_slice %add3A_212 {offsets = [0, 0], sizes = [1024, 256], strides = [1, 1]} : vector<1024x512xf32> to vector<1024x256xf32>
    %neg3A_214 = arith.constant 0.000000e+00 : f32
    %neg3A_215 = vector.broadcast %neg3A_214 : f32 to vector<1024x256xf32>
    %neg3A_216 = arith.subf %neg3A_215, %slice3A_213 : vector<1024x256xf32>
    %exp3A_217 = math.exp %neg3A_216 : vector<1024x256xf32>
    %add3A_218 = arith.constant 1.000000e+00 : f32
    %add3A_219 = vector.broadcast %add3A_218 : f32 to vector<1024x256xf32>
    %add3A_220 = arith.addf %add3A_219, %exp3A_217 : vector<1024x256xf32>
    %div3A_221 = arith.constant 1.000000e+00 : f32
    %div3A_222 = vector.broadcast %div3A_221 : f32 to vector<1024x256xf32>
    %div3A_223 = arith.divf %div3A_222, %add3A_220 : vector<1024x256xf32>
    %slice3A_224 = vector.extract_strided_slice %add3A_212 {offsets = [0, 256], sizes = [1024, 256], strides = [1, 1]} : vector<1024x512xf32> to vector<1024x256xf32>
    %tanh3A_225 = math.tanh %slice3A_224 : vector<1024x256xf32>
    %sub3A_226 = arith.constant 1.000000e+00 : f32
    %sub3A_227 = vector.broadcast %sub3A_226 : f32 to vector<1024x256xf32>
    %sub3A_228 = arith.subf %sub3A_227, %div3A_223 : vector<1024x256xf32>
    %mul3A_229 = arith.mulf %sub3A_228, %tanh3A_225 : vector<1024x256xf32>
    %mul3A_230 = vector.broadcast %div3A_114 : f32 to vector<1024x256xf32>
    %mul3A_231 = arith.mulf %mul3A_230, %mul3A_229 : vector<1024x256xf32>
    %add3A_232 = arith.addf %add3A_205, %mul3A_231 : vector<1024x256xf32>
    %slice3A_233 = vector.extract_strided_slice %mul3A_19 {offsets = [0, 32], sizes = [1024, 8], strides = [1, 1]} : vector<1024x96xf32> to vector<1024x8xf32>
    %slice3A_234 = vector.extract_strided_slice %mul3A_32 {offsets = [0, 32], sizes = [1024, 8], strides = [1, 1]} : vector<1024x96xf32> to vector<1024x8xf32>
    %concatenate3A_235 = tpu.concatenate %slice3A_233, %slice3A_234 in 1 : vector<1024x8xf32>, vector<1024x8xf32> -> vector<1024x16xf32>
    %dot_general3A_236 = arith.constant dense<0.000000e+00> : vector<1024x512xf32>
    %dot_general3A_237 = tpu.matmul %concatenate3A_235, %get3A_125, %dot_general3A_236 {dimension_numbers = #tpu.dot_dimension_numbers<[1], [0], [0], [1], [0, 0, 1, 1], [], []>, transpose_lhs_hint = false} : vector<1024x16xf32>, vector<16x512xf32>, vector<1024x512xf32> -> vector<1024x512xf32>
    %add3A_238 = vector.broadcast %get3A_128 : vector<1x512xf32> to vector<1024x512xf32>
    %add3A_239 = arith.addf %dot_general3A_237, %add3A_238 : vector<1024x512xf32>
    %slice3A_240 = vector.extract_strided_slice %add3A_239 {offsets = [0, 0], sizes = [1024, 256], strides = [1, 1]} : vector<1024x512xf32> to vector<1024x256xf32>
    %neg3A_241 = arith.constant 0.000000e+00 : f32
    %neg3A_242 = vector.broadcast %neg3A_241 : f32 to vector<1024x256xf32>
    %neg3A_243 = arith.subf %neg3A_242, %slice3A_240 : vector<1024x256xf32>
    %exp3A_244 = math.exp %neg3A_243 : vector<1024x256xf32>
    %add3A_245 = arith.constant 1.000000e+00 : f32
    %add3A_246 = vector.broadcast %add3A_245 : f32 to vector<1024x256xf32>
    %add3A_247 = arith.addf %add3A_246, %exp3A_244 : vector<1024x256xf32>
    %div3A_248 = arith.constant 1.000000e+00 : f32
    %div3A_249 = vector.broadcast %div3A_248 : f32 to vector<1024x256xf32>
    %div3A_250 = arith.divf %div3A_249, %add3A_247 : vector<1024x256xf32>
    %slice3A_251 = vector.extract_strided_slice %add3A_239 {offsets = [0, 256], sizes = [1024, 256], strides = [1, 1]} : vector<1024x512xf32> to vector<1024x256xf32>
    %tanh3A_252 = math.tanh %slice3A_251 : vector<1024x256xf32>
    %sub3A_253 = arith.constant 1.000000e+00 : f32
    %sub3A_254 = vector.broadcast %sub3A_253 : f32 to vector<1024x256xf32>
    %sub3A_255 = arith.subf %sub3A_254, %div3A_250 : vector<1024x256xf32>
    %mul3A_256 = arith.mulf %sub3A_255, %tanh3A_252 : vector<1024x256xf32>
    %mul3A_257 = vector.broadcast %div3A_115 : f32 to vector<1024x256xf32>
    %mul3A_258 = arith.mulf %mul3A_257, %mul3A_256 : vector<1024x256xf32>
    %add3A_259 = arith.addf %add3A_232, %mul3A_258 : vector<1024x256xf32>
    %slice3A_260 = vector.extract_strided_slice %mul3A_19 {offsets = [0, 40], sizes = [1024, 8], strides = [1, 1]} : vector<1024x96xf32> to vector<1024x8xf32>
    %slice3A_261 = vector.extract_strided_slice %mul3A_32 {offsets = [0, 40], sizes = [1024, 8], strides = [1, 1]} : vector<1024x96xf32> to vector<1024x8xf32>
    %concatenate3A_262 = tpu.concatenate %slice3A_260, %slice3A_261 in 1 : vector<1024x8xf32>, vector<1024x8xf32> -> vector<1024x16xf32>
    %dot_general3A_263 = arith.constant dense<0.000000e+00> : vector<1024x512xf32>
    %dot_general3A_264 = tpu.matmul %concatenate3A_262, %get3A_125, %dot_general3A_263 {dimension_numbers = #tpu.dot_dimension_numbers<[1], [0], [0], [1], [0, 0, 1, 1], [], []>, transpose_lhs_hint = false} : vector<1024x16xf32>, vector<16x512xf32>, vector<1024x512xf32> -> vector<1024x512xf32>
    %add3A_265 = vector.broadcast %get3A_128 : vector<1x512xf32> to vector<1024x512xf32>
    %add3A_266 = arith.addf %dot_general3A_264, %add3A_265 : vector<1024x512xf32>
    %slice3A_267 = vector.extract_strided_slice %add3A_266 {offsets = [0, 0], sizes = [1024, 256], strides = [1, 1]} : vector<1024x512xf32> to vector<1024x256xf32>
    %neg3A_268 = arith.constant 0.000000e+00 : f32
    %neg3A_269 = vector.broadcast %neg3A_268 : f32 to vector<1024x256xf32>
    %neg3A_270 = arith.subf %neg3A_269, %slice3A_267 : vector<1024x256xf32>
    %exp3A_271 = math.exp %neg3A_270 : vector<1024x256xf32>
    %add3A_272 = arith.constant 1.000000e+00 : f32
    %add3A_273 = vector.broadcast %add3A_272 : f32 to vector<1024x256xf32>
    %add3A_274 = arith.addf %add3A_273, %exp3A_271 : vector<1024x256xf32>
    %div3A_275 = arith.constant 1.000000e+00 : f32
    %div3A_276 = vector.broadcast %div3A_275 : f32 to vector<1024x256xf32>
    %div3A_277 = arith.divf %div3A_276, %add3A_274 : vector<1024x256xf32>
    %slice3A_278 = vector.extract_strided_slice %add3A_266 {offsets = [0, 256], sizes = [1024, 256], strides = [1, 1]} : vector<1024x512xf32> to vector<1024x256xf32>
    %tanh3A_279 = math.tanh %slice3A_278 : vector<1024x256xf32>
    %sub3A_280 = arith.constant 1.000000e+00 : f32
    %sub3A_281 = vector.broadcast %sub3A_280 : f32 to vector<1024x256xf32>
    %sub3A_282 = arith.subf %sub3A_281, %div3A_277 : vector<1024x256xf32>
    %mul3A_283 = arith.mulf %sub3A_282, %tanh3A_279 : vector<1024x256xf32>
    %mul3A_284 = vector.broadcast %div3A_116 : f32 to vector<1024x256xf32>
    %mul3A_285 = arith.mulf %mul3A_284, %mul3A_283 : vector<1024x256xf32>
    %add3A_286 = arith.addf %add3A_259, %mul3A_285 : vector<1024x256xf32>
    %slice3A_287 = vector.extract_strided_slice %mul3A_19 {offsets = [0, 48], sizes = [1024, 8], strides = [1, 1]} : vector<1024x96xf32> to vector<1024x8xf32>
    %slice3A_288 = vector.extract_strided_slice %mul3A_32 {offsets = [0, 48], sizes = [1024, 8], strides = [1, 1]} : vector<1024x96xf32> to vector<1024x8xf32>
    %concatenate3A_289 = tpu.concatenate %slice3A_287, %slice3A_288 in 1 : vector<1024x8xf32>, vector<1024x8xf32> -> vector<1024x16xf32>
    %dot_general3A_290 = arith.constant dense<0.000000e+00> : vector<1024x512xf32>
    %dot_general3A_291 = tpu.matmul %concatenate3A_289, %get3A_125, %dot_general3A_290 {dimension_numbers = #tpu.dot_dimension_numbers<[1], [0], [0], [1], [0, 0, 1, 1], [], []>, transpose_lhs_hint = false} : vector<1024x16xf32>, vector<16x512xf32>, vector<1024x512xf32> -> vector<1024x512xf32>
    %add3A_292 = vector.broadcast %get3A_128 : vector<1x512xf32> to vector<1024x512xf32>
    %add3A_293 = arith.addf %dot_general3A_291, %add3A_292 : vector<1024x512xf32>
    %slice3A_294 = vector.extract_strided_slice %add3A_293 {offsets = [0, 0], sizes = [1024, 256], strides = [1, 1]} : vector<1024x512xf32> to vector<1024x256xf32>
    %neg3A_295 = arith.constant 0.000000e+00 : f32
    %neg3A_296 = vector.broadcast %neg3A_295 : f32 to vector<1024x256xf32>
    %neg3A_297 = arith.subf %neg3A_296, %slice3A_294 : vector<1024x256xf32>
    %exp3A_298 = math.exp %neg3A_297 : vector<1024x256xf32>
    %add3A_299 = arith.constant 1.000000e+00 : f32
    %add3A_300 = vector.broadcast %add3A_299 : f32 to vector<1024x256xf32>
    %add3A_301 = arith.addf %add3A_300, %exp3A_298 : vector<1024x256xf32>
    %div3A_302 = arith.constant 1.000000e+00 : f32
    %div3A_303 = vector.broadcast %div3A_302 : f32 to vector<1024x256xf32>
    %div3A_304 = arith.divf %div3A_303, %add3A_301 : vector<1024x256xf32>
    %slice3A_305 = vector.extract_strided_slice %add3A_293 {offsets = [0, 256], sizes = [1024, 256], strides = [1, 1]} : vector<1024x512xf32> to vector<1024x256xf32>
    %tanh3A_306 = math.tanh %slice3A_305 : vector<1024x256xf32>
    %sub3A_307 = arith.constant 1.000000e+00 : f32
    %sub3A_308 = vector.broadcast %sub3A_307 : f32 to vector<1024x256xf32>
    %sub3A_309 = arith.subf %sub3A_308, %div3A_304 : vector<1024x256xf32>
    %mul3A_310 = arith.mulf %sub3A_309, %tanh3A_306 : vector<1024x256xf32>
    %mul3A_311 = vector.broadcast %div3A_117 : f32 to vector<1024x256xf32>
    %mul3A_312 = arith.mulf %mul3A_311, %mul3A_310 : vector<1024x256xf32>
    %add3A_313 = arith.addf %add3A_286, %mul3A_312 : vector<1024x256xf32>
    %slice3A_314 = vector.extract_strided_slice %mul3A_19 {offsets = [0, 56], sizes = [1024, 8], strides = [1, 1]} : vector<1024x96xf32> to vector<1024x8xf32>
    %slice3A_315 = vector.extract_strided_slice %mul3A_32 {offsets = [0, 56], sizes = [1024, 8], strides = [1, 1]} : vector<1024x96xf32> to vector<1024x8xf32>
    %concatenate3A_316 = tpu.concatenate %slice3A_314, %slice3A_315 in 1 : vector<1024x8xf32>, vector<1024x8xf32> -> vector<1024x16xf32>
    %dot_general3A_317 = arith.constant dense<0.000000e+00> : vector<1024x512xf32>
    %dot_general3A_318 = tpu.matmul %concatenate3A_316, %get3A_125, %dot_general3A_317 {dimension_numbers = #tpu.dot_dimension_numbers<[1], [0], [0], [1], [0, 0, 1, 1], [], []>, transpose_lhs_hint = false} : vector<1024x16xf32>, vector<16x512xf32>, vector<1024x512xf32> -> vector<1024x512xf32>
    %add3A_319 = vector.broadcast %get3A_128 : vector<1x512xf32> to vector<1024x512xf32>
    %add3A_320 = arith.addf %dot_general3A_318, %add3A_319 : vector<1024x512xf32>
    %slice3A_321 = vector.extract_strided_slice %add3A_320 {offsets = [0, 0], sizes = [1024, 256], strides = [1, 1]} : vector<1024x512xf32> to vector<1024x256xf32>
    %neg3A_322 = arith.constant 0.000000e+00 : f32
    %neg3A_323 = vector.broadcast %neg3A_322 : f32 to vector<1024x256xf32>
    %neg3A_324 = arith.subf %neg3A_323, %slice3A_321 : vector<1024x256xf32>
    %exp3A_325 = math.exp %neg3A_324 : vector<1024x256xf32>
    %add3A_326 = arith.constant 1.000000e+00 : f32
    %add3A_327 = vector.broadcast %add3A_326 : f32 to vector<1024x256xf32>
    %add3A_328 = arith.addf %add3A_327, %exp3A_325 : vector<1024x256xf32>
    %div3A_329 = arith.constant 1.000000e+00 : f32
    %div3A_330 = vector.broadcast %div3A_329 : f32 to vector<1024x256xf32>
    %div3A_331 = arith.divf %div3A_330, %add3A_328 : vector<1024x256xf32>
    %slice3A_332 = vector.extract_strided_slice %add3A_320 {offsets = [0, 256], sizes = [1024, 256], strides = [1, 1]} : vector<1024x512xf32> to vector<1024x256xf32>
    %tanh3A_333 = math.tanh %slice3A_332 : vector<1024x256xf32>
    %sub3A_334 = arith.constant 1.000000e+00 : f32
    %sub3A_335 = vector.broadcast %sub3A_334 : f32 to vector<1024x256xf32>
    %sub3A_336 = arith.subf %sub3A_335, %div3A_331 : vector<1024x256xf32>
    %mul3A_337 = arith.mulf %sub3A_336, %tanh3A_333 : vector<1024x256xf32>
    %mul3A_338 = vector.broadcast %div3A_118 : f32 to vector<1024x256xf32>
    %mul3A_339 = arith.mulf %mul3A_338, %mul3A_337 : vector<1024x256xf32>
    %add3A_340 = arith.addf %add3A_313, %mul3A_339 : vector<1024x256xf32>
    %slice3A_341 = vector.extract_strided_slice %mul3A_19 {offsets = [0, 64], sizes = [1024, 8], strides = [1, 1]} : vector<1024x96xf32> to vector<1024x8xf32>
    %slice3A_342 = vector.extract_strided_slice %mul3A_32 {offsets = [0, 64], sizes = [1024, 8], strides = [1, 1]} : vector<1024x96xf32> to vector<1024x8xf32>
    %concatenate3A_343 = tpu.concatenate %slice3A_341, %slice3A_342 in 1 : vector<1024x8xf32>, vector<1024x8xf32> -> vector<1024x16xf32>
    %dot_general3A_344 = arith.constant dense<0.000000e+00> : vector<1024x512xf32>
    %dot_general3A_345 = tpu.matmul %concatenate3A_343, %get3A_125, %dot_general3A_344 {dimension_numbers = #tpu.dot_dimension_numbers<[1], [0], [0], [1], [0, 0, 1, 1], [], []>, transpose_lhs_hint = false} : vector<1024x16xf32>, vector<16x512xf32>, vector<1024x512xf32> -> vector<1024x512xf32>
    %add3A_346 = vector.broadcast %get3A_128 : vector<1x512xf32> to vector<1024x512xf32>
    %add3A_347 = arith.addf %dot_general3A_345, %add3A_346 : vector<1024x512xf32>
    %slice3A_348 = vector.extract_strided_slice %add3A_347 {offsets = [0, 0], sizes = [1024, 256], strides = [1, 1]} : vector<1024x512xf32> to vector<1024x256xf32>
    %neg3A_349 = arith.constant 0.000000e+00 : f32
    %neg3A_350 = vector.broadcast %neg3A_349 : f32 to vector<1024x256xf32>
    %neg3A_351 = arith.subf %neg3A_350, %slice3A_348 : vector<1024x256xf32>
    %exp3A_352 = math.exp %neg3A_351 : vector<1024x256xf32>
    %add3A_353 = arith.constant 1.000000e+00 : f32
    %add3A_354 = vector.broadcast %add3A_353 : f32 to vector<1024x256xf32>
    %add3A_355 = arith.addf %add3A_354, %exp3A_352 : vector<1024x256xf32>
    %div3A_356 = arith.constant 1.000000e+00 : f32
    %div3A_357 = vector.broadcast %div3A_356 : f32 to vector<1024x256xf32>
    %div3A_358 = arith.divf %div3A_357, %add3A_355 : vector<1024x256xf32>
    %slice3A_359 = vector.extract_strided_slice %add3A_347 {offsets = [0, 256], sizes = [1024, 256], strides = [1, 1]} : vector<1024x512xf32> to vector<1024x256xf32>
    %tanh3A_360 = math.tanh %slice3A_359 : vector<1024x256xf32>
    %sub3A_361 = arith.constant 1.000000e+00 : f32
    %sub3A_362 = vector.broadcast %sub3A_361 : f32 to vector<1024x256xf32>
    %sub3A_363 = arith.subf %sub3A_362, %div3A_358 : vector<1024x256xf32>
    %mul3A_364 = arith.mulf %sub3A_363, %tanh3A_360 : vector<1024x256xf32>
    %mul3A_365 = vector.broadcast %div3A_119 : f32 to vector<1024x256xf32>
    %mul3A_366 = arith.mulf %mul3A_365, %mul3A_364 : vector<1024x256xf32>
    %add3A_367 = arith.addf %add3A_340, %mul3A_366 : vector<1024x256xf32>
    %slice3A_368 = vector.extract_strided_slice %mul3A_19 {offsets = [0, 72], sizes = [1024, 8], strides = [1, 1]} : vector<1024x96xf32> to vector<1024x8xf32>
    %slice3A_369 = vector.extract_strided_slice %mul3A_32 {offsets = [0, 72], sizes = [1024, 8], strides = [1, 1]} : vector<1024x96xf32> to vector<1024x8xf32>
    %concatenate3A_370 = tpu.concatenate %slice3A_368, %slice3A_369 in 1 : vector<1024x8xf32>, vector<1024x8xf32> -> vector<1024x16xf32>
    %dot_general3A_371 = arith.constant dense<0.000000e+00> : vector<1024x512xf32>
    %dot_general3A_372 = tpu.matmul %concatenate3A_370, %get3A_125, %dot_general3A_371 {dimension_numbers = #tpu.dot_dimension_numbers<[1], [0], [0], [1], [0, 0, 1, 1], [], []>, transpose_lhs_hint = false} : vector<1024x16xf32>, vector<16x512xf32>, vector<1024x512xf32> -> vector<1024x512xf32>
    %add3A_373 = vector.broadcast %get3A_128 : vector<1x512xf32> to vector<1024x512xf32>
    %add3A_374 = arith.addf %dot_general3A_372, %add3A_373 : vector<1024x512xf32>
    %slice3A_375 = vector.extract_strided_slice %add3A_374 {offsets = [0, 0], sizes = [1024, 256], strides = [1, 1]} : vector<1024x512xf32> to vector<1024x256xf32>
    %neg3A_376 = arith.constant 0.000000e+00 : f32
    %neg3A_377 = vector.broadcast %neg3A_376 : f32 to vector<1024x256xf32>
    %neg3A_378 = arith.subf %neg3A_377, %slice3A_375 : vector<1024x256xf32>
    %exp3A_379 = math.exp %neg3A_378 : vector<1024x256xf32>
    %add3A_380 = arith.constant 1.000000e+00 : f32
    %add3A_381 = vector.broadcast %add3A_380 : f32 to vector<1024x256xf32>
    %add3A_382 = arith.addf %add3A_381, %exp3A_379 : vector<1024x256xf32>
    %div3A_383 = arith.constant 1.000000e+00 : f32
    %div3A_384 = vector.broadcast %div3A_383 : f32 to vector<1024x256xf32>
    %div3A_385 = arith.divf %div3A_384, %add3A_382 : vector<1024x256xf32>
    %slice3A_386 = vector.extract_strided_slice %add3A_374 {offsets = [0, 256], sizes = [1024, 256], strides = [1, 1]} : vector<1024x512xf32> to vector<1024x256xf32>
    %tanh3A_387 = math.tanh %slice3A_386 : vector<1024x256xf32>
    %sub3A_388 = arith.constant 1.000000e+00 : f32
    %sub3A_389 = vector.broadcast %sub3A_388 : f32 to vector<1024x256xf32>
    %sub3A_390 = arith.subf %sub3A_389, %div3A_385 : vector<1024x256xf32>
    %mul3A_391 = arith.mulf %sub3A_390, %tanh3A_387 : vector<1024x256xf32>
    %mul3A_392 = vector.broadcast %div3A_120 : f32 to vector<1024x256xf32>
    %mul3A_393 = arith.mulf %mul3A_392, %mul3A_391 : vector<1024x256xf32>
    %add3A_394 = arith.addf %add3A_367, %mul3A_393 : vector<1024x256xf32>
    %slice3A_395 = vector.extract_strided_slice %mul3A_19 {offsets = [0, 80], sizes = [1024, 8], strides = [1, 1]} : vector<1024x96xf32> to vector<1024x8xf32>
    %slice3A_396 = vector.extract_strided_slice %mul3A_32 {offsets = [0, 80], sizes = [1024, 8], strides = [1, 1]} : vector<1024x96xf32> to vector<1024x8xf32>
    %concatenate3A_397 = tpu.concatenate %slice3A_395, %slice3A_396 in 1 : vector<1024x8xf32>, vector<1024x8xf32> -> vector<1024x16xf32>
    %dot_general3A_398 = arith.constant dense<0.000000e+00> : vector<1024x512xf32>
    %dot_general3A_399 = tpu.matmul %concatenate3A_397, %get3A_125, %dot_general3A_398 {dimension_numbers = #tpu.dot_dimension_numbers<[1], [0], [0], [1], [0, 0, 1, 1], [], []>, transpose_lhs_hint = false} : vector<1024x16xf32>, vector<16x512xf32>, vector<1024x512xf32> -> vector<1024x512xf32>
    %add3A_400 = vector.broadcast %get3A_128 : vector<1x512xf32> to vector<1024x512xf32>
    %add3A_401 = arith.addf %dot_general3A_399, %add3A_400 : vector<1024x512xf32>
    %slice3A_402 = vector.extract_strided_slice %add3A_401 {offsets = [0, 0], sizes = [1024, 256], strides = [1, 1]} : vector<1024x512xf32> to vector<1024x256xf32>
    %neg3A_403 = arith.constant 0.000000e+00 : f32
    %neg3A_404 = vector.broadcast %neg3A_403 : f32 to vector<1024x256xf32>
    %neg3A_405 = arith.subf %neg3A_404, %slice3A_402 : vector<1024x256xf32>
    %exp3A_406 = math.exp %neg3A_405 : vector<1024x256xf32>
    %add3A_407 = arith.constant 1.000000e+00 : f32
    %add3A_408 = vector.broadcast %add3A_407 : f32 to vector<1024x256xf32>
    %add3A_409 = arith.addf %add3A_408, %exp3A_406 : vector<1024x256xf32>
    %div3A_410 = arith.constant 1.000000e+00 : f32
    %div3A_411 = vector.broadcast %div3A_410 : f32 to vector<1024x256xf32>
    %div3A_412 = arith.divf %div3A_411, %add3A_409 : vector<1024x256xf32>
    %slice3A_413 = vector.extract_strided_slice %add3A_401 {offsets = [0, 256], sizes = [1024, 256], strides = [1, 1]} : vector<1024x512xf32> to vector<1024x256xf32>
    %tanh3A_414 = math.tanh %slice3A_413 : vector<1024x256xf32>
    %sub3A_415 = arith.constant 1.000000e+00 : f32
    %sub3A_416 = vector.broadcast %sub3A_415 : f32 to vector<1024x256xf32>
    %sub3A_417 = arith.subf %sub3A_416, %div3A_412 : vector<1024x256xf32>
    %mul3A_418 = arith.mulf %sub3A_417, %tanh3A_414 : vector<1024x256xf32>
    %mul3A_419 = vector.broadcast %div3A_121 : f32 to vector<1024x256xf32>
    %mul3A_420 = arith.mulf %mul3A_419, %mul3A_418 : vector<1024x256xf32>
    %add3A_421 = arith.addf %add3A_394, %mul3A_420 : vector<1024x256xf32>
    %slice3A_422 = vector.extract_strided_slice %mul3A_19 {offsets = [0, 88], sizes = [1024, 8], strides = [1, 1]} : vector<1024x96xf32> to vector<1024x8xf32>
    %slice3A_423 = vector.extract_strided_slice %mul3A_32 {offsets = [0, 88], sizes = [1024, 8], strides = [1, 1]} : vector<1024x96xf32> to vector<1024x8xf32>
    %concatenate3A_424 = tpu.concatenate %slice3A_422, %slice3A_423 in 1 : vector<1024x8xf32>, vector<1024x8xf32> -> vector<1024x16xf32>
    %dot_general3A_425 = arith.constant dense<0.000000e+00> : vector<1024x512xf32>
    %dot_general3A_426 = tpu.matmul %concatenate3A_424, %get3A_125, %dot_general3A_425 {dimension_numbers = #tpu.dot_dimension_numbers<[1], [0], [0], [1], [0, 0, 1, 1], [], []>, transpose_lhs_hint = false} : vector<1024x16xf32>, vector<16x512xf32>, vector<1024x512xf32> -> vector<1024x512xf32>
    %add3A_427 = vector.broadcast %get3A_128 : vector<1x512xf32> to vector<1024x512xf32>
    %add3A_428 = arith.addf %dot_general3A_426, %add3A_427 : vector<1024x512xf32>
    %slice3A_429 = vector.extract_strided_slice %add3A_428 {offsets = [0, 0], sizes = [1024, 256], strides = [1, 1]} : vector<1024x512xf32> to vector<1024x256xf32>
    %neg3A_430 = arith.constant 0.000000e+00 : f32
    %neg3A_431 = vector.broadcast %neg3A_430 : f32 to vector<1024x256xf32>
    %neg3A_432 = arith.subf %neg3A_431, %slice3A_429 : vector<1024x256xf32>
    %exp3A_433 = math.exp %neg3A_432 : vector<1024x256xf32>
    %add3A_434 = arith.constant 1.000000e+00 : f32
    %add3A_435 = vector.broadcast %add3A_434 : f32 to vector<1024x256xf32>
    %add3A_436 = arith.addf %add3A_435, %exp3A_433 : vector<1024x256xf32>
    %div3A_437 = arith.constant 1.000000e+00 : f32
    %div3A_438 = vector.broadcast %div3A_437 : f32 to vector<1024x256xf32>
    %div3A_439 = arith.divf %div3A_438, %add3A_436 : vector<1024x256xf32>
    %slice3A_440 = vector.extract_strided_slice %add3A_428 {offsets = [0, 256], sizes = [1024, 256], strides = [1, 1]} : vector<1024x512xf32> to vector<1024x256xf32>
    %tanh3A_441 = math.tanh %slice3A_440 : vector<1024x256xf32>
    %sub3A_442 = arith.constant 1.000000e+00 : f32
    %sub3A_443 = vector.broadcast %sub3A_442 : f32 to vector<1024x256xf32>
    %sub3A_444 = arith.subf %sub3A_443, %div3A_439 : vector<1024x256xf32>
    %mul3A_445 = arith.mulf %sub3A_444, %tanh3A_441 : vector<1024x256xf32>
    %mul3A_446 = vector.broadcast %div3A_122 : f32 to vector<1024x256xf32>
    %mul3A_447 = arith.mulf %mul3A_446, %mul3A_445 : vector<1024x256xf32>
    %add3A_448 = arith.addf %add3A_421, %mul3A_447 : vector<1024x256xf32>
    %max3A_449 = arith.constant 0.000000e+00 : f32
    %max3A_450 = vector.broadcast %max3A_449 : f32 to vector<1024x256xf32>
    %max3A_451 = arith.maximumf %add3A_448, %max3A_450 : vector<1024x256xf32>
    %get3A_452 = arith.constant 0 : index
    %get3A_453 = arith.constant 0 : index
    %get3A_454 = vector.load %arg11[%get3A_452, %get3A_453] : memref<256x96xf32, #tpu.memory_space<vmem>>, vector<256x96xf32>
    %dot_general3A_455 = arith.constant dense<0.000000e+00> : vector<1024x96xf32>
    %dot_general3A_456 = tpu.matmul %max3A_451, %get3A_454, %dot_general3A_455 {dimension_numbers = #tpu.dot_dimension_numbers<[1], [0], [0], [1], [0, 0, 1, 1], [], []>, transpose_lhs_hint = false} : vector<1024x256xf32>, vector<256x96xf32>, vector<1024x96xf32> -> vector<1024x96xf32>
    %get3A_457 = arith.constant 0 : index
    %get3A_458 = arith.constant 0 : index
    %get3A_459 = vector.load %arg12[%get3A_457, %get3A_458] : memref<1x96xf32, #tpu.memory_space<vmem>>, vector<1x96xf32>
    %add3A_460 = vector.broadcast %get3A_459 : vector<1x96xf32> to vector<1024x96xf32>
    %add3A_461 = arith.addf %dot_general3A_456, %add3A_460 : vector<1024x96xf32>
    %swap3A = arith.constant 0 : index
    %swap3A_462 = arith.constant 0 : index
    %swap3A_463 = vector.load %arg14[%swap3A, %swap3A_462] : memref<1024x96xf32, #tpu.memory_space<vmem>>, vector<1024x96xf32>
    tpu.vector_store %arg14[%swap3A, %swap3A_462], %add3A_461 {strides = array<i32>} : memref<1024x96xf32, #tpu.memory_space<vmem>>, vector<1024x96xf32>,
    return
  }
  func.func @transform_0(%arg0: i32) -> (i32, i32) {
    %c0_i32 = arith.constant 0 : i32
    %c0_i32_0 = arith.constant 0 : i32
    return %arg0, %c0_i32 : i32, i32
  }
  func.func @transform_1(%arg0: i32) -> (i32, i32) {
    %c0_i32 = arith.constant 0 : i32
    %c0_i32_0 = arith.constant 0 : i32
    return %arg0, %c0_i32 : i32, i32
  }
  func.func @transform_2(%arg0: i32) -> (i32, i32) {
    %c0_i32 = arith.constant 0 : i32
    %c0_i32_0 = arith.constant 0 : i32
    return %arg0, %c0_i32 : i32, i32
  }
  func.func @transform_3(%arg0: i32) -> (i32, i32) {
    %c0_i32 = arith.constant 0 : i32
    %c0_i32_0 = arith.constant 0 : i32
    return %arg0, %c0_i32 : i32, i32
  }
  func.func @transform_4(%arg0: i32) -> (i32, i32) {
    %c0_i32 = arith.constant 0 : i32
    %c0_i32_0 = arith.constant 0 : i32
    return %arg0, %c0_i32 : i32, i32
  }
  func.func @transform_5(%arg0: i32) -> (i32, i32) {
    %c0_i32 = arith.constant 0 : i32
    %c0_i32_0 = arith.constant 0 : i32
    return %arg0, %c0_i32 : i32, i32
  }
  func.func @transform_6(%arg0: i32) -> (i32, i32) {
    %c0_i32 = arith.constant 0 : i32
    %c0_i32_0 = arith.constant 0 : i32
    return %arg0, %c0_i32 : i32, i32
  }
  func.func @transform_7(%arg0: i32) -> (i32, i32) {
    %c0_i32 = arith.constant 0 : i32
    %c0_i32_0 = arith.constant 0 : i32
    return %arg0, %c0_i32 : i32, i32
  }
  func.func @transform_8(%arg0: i32) -> (i32, i32) {
    %c0_i32 = arith.constant 0 : i32
    %c0_i32_0 = arith.constant 0 : i32
    %c0_i32_1 = arith.constant 0 : i32
    return %c0_i32, %c0_i32_0 : i32, i32
  }
  func.func @transform_9(%arg0: i32) -> (i32, i32) {
    %c0_i32 = arith.constant 0 : i32
    %c0_i32_0 = arith.constant 0 : i32
    %c0_i32_1 = arith.constant 0 : i32
    return %c0_i32, %c0_i32_0 : i32, i32
  }
  func.func @transform_10(%arg0: i32) -> (i32, i32) {
    %c0_i32 = arith.constant 0 : i32
    %c0_i32_0 = arith.constant 0 : i32
    %c0_i32_1 = arith.constant 0 : i32
    return %c0_i32, %c0_i32_0 : i32, i32
  }
  func.func @transform_11(%arg0: i32) -> (i32, i32) {
    %c0_i32 = arith.constant 0 : i32
    %c0_i32_0 = arith.constant 0 : i32
    %c0_i32_1 = arith.constant 0 : i32
    return %c0_i32, %c0_i32_0 : i32, i32
  }
  func.func @transform_12(%arg0: i32) -> (i32, i32) {
    %c0_i32 = arith.constant 0 : i32
    %c0_i32_0 = arith.constant 0 : i32
    %c0_i32_1 = arith.constant 0 : i32
    return %c0_i32, %c0_i32_0 : i32, i32
  }
  func.func @transform_13(%arg0: i32) -> (i32, i32) {
    %c0_i32 = arith.constant 0 : i32
    %c0_i32_0 = arith.constant 0 : i32
    return %arg0, %c0_i32 : i32, i32
  }
}

</mosaic_0001>

<sc_bundles>
// kernel: kernel.10.cloned.1.call-start
scs
__scs_entry_jumppad:
0x0: {  	(pc) =	sbr.rel $0x88, $3  }
0x1: {  	(tag) =	ssettag $0x0;
	lr =	simm.s32 $0x1  }
0x2: {  	[smem:$0x3F94] =	sst lr;
	_ =	strace $0xD0000000  }
0x3: {  	_ = 	snop  }
0x4: {  	_ = 	snop  }
0x5: {  	_ = 	snop  }
0x6: {  	_ = 	snop  }
0x7: {  	_ = 	snop  }
__scs_overlays_trampoline_lowered:
0x8: {  	[smem:$0x3FA3] =	sst s0  }
0x9: {  	[smem:$0x3FA4] =	sst s1  }
0xa: {  	[smem:$0x3FA5] =	sst s2  }
0xb: {  	[smem:$0x3FA6] =	sst s3  }
0xc: {  	[smem:$0x3FA7] =	sst s4  }
0xd: {  	[smem:$0x3FA8] =	sst s5  }
0xe: {  	[smem:$0x3FA9] =	sst s6  }
0xf: {  	[smem:$0x3FAA] =	sst s7  }
0x10: {  	[smem:$0x3FAB] =	sst s8  }
0x11: {  	[smem:$0x3FAC] =	sst s9;
	s0 =	simm.s32 @!p0 $0x0  }
0x12: {  	s1 =	sld [smem:$0x3F92];
	s0 =	simm.s32 @p0 $0x1  }
0x13: {  	[smem:$0x3FAD] =	sst s0;
	s0 =	simm.s32 @!p1 $0x0  }
0x14: {  	s2 =	sld [smem:$0x3F91];
	s0 =	simm.s32 @p1 $0x1  }
0x15: {  	[smem:$0x3FAE] =	sst s0;
	s0 =	simm.s32 @!p2 $0x0  }
0x16: {  	s3 =	sld [smem:$0x3FDB];
	s0 =	simm.s32 @p2 $0x1  }
0x17: {  	s4 =	simm.s32 $0x1BF5;
	[smem:$0x3FB0] =	sst s0  }
0x18: {  	s0 =	sld [smem:$0x3F93];
	_ =	swait.ge [sflag:s4], $0x0  }
0x19: {  	s7 =	sld [smem:$0x3F94]  }
0x1a: {  	s8 =	sadd.s32 $0xFFFFE003, lr  }
0x1b: {  	s9 =	sadd.s32 $0xFFFFFEF7, lr;
	s5 =	simm.s32 $0xFFFFFFFF;
	p2 =	slt.u32 s8, $0xFFFFF086  }
0x1c: {  	p1 =	slt.u32 s9, $0xF7A;
	s5 =	simm.s32 @!p2 $0x0  }
0x1d: {  	s5 =	simm.s32 @p1 $0x1;
	p0 =	seq.s32 s7, s2  }
0x1e: {  	s7 =	smul.u32 @!p0 $0xF7A, s2;
	p2 =	seq.s32 @!p0 s5, $0x0  }
0x1f: {  	s9 =	smul.u32 $0xF7A, s1;
	s8 =	simm.s32 @!p0 $0x1BF5;
	p2 =	por !p2, p0  }
0x20: {  	[sflag:s8] =	ssyncset.s32 @!p0 $0xFFFFF086;
	s6 =	sadd.s32 @!p0 s3, s7;
	s7 =	simm.s32 @!p0 $0x108  }
0x21: {  	s3 =	sadd.s32 s3, s9;
	s6 =	sadd.s32 @!p0 $0x88, s6;
	s7 =	simm.s32 @p2 $0x1082  }
0x22: {  	[simem:s7], [sflag:s8] =	dma.local @!p0 [hbm:s6], $0xF7A  }
0x23: {  	s9 =	sor.u32 $0xD0000000, s2;
	s6 =	simm.s32 $0x108;
	_ =	swait.ge @!p0 [sflag:s8], $0x0  }
0x24: {  	s3 =	sadd.s32 $0x88, s3;
	s6 =	simm.s32 @!p1 $0x1082;
	[sflag:s4] =	ssyncset.s32 $0xFFFFF086  }
0x25: {  	[simem:s6], [sflag:s4] =	dma.local [hbm:s3], $0xF7A  }
0x26: {  	[smem:$0x3F94] =	sst s1;
	(tag) =	ssettag s2;
	_ =	strace s9  }
0x27: {  	s1 =	sld [smem:$0x3FA4]  }
0x28: {  	s2 =	sld [smem:$0x3FA5]  }
0x29: {  	s4 =	sld [smem:$0x3FA7]  }
0x2a: {  	p0 =	seq.s32 s5, $0x0;
	s5 =	sld [smem:$0x3FA8]  }
0x2b: {  	s6 =	sld [smem:$0x3FA9]  }
0x2c: {  	s7 =	sld [smem:$0x3FAA]  }
0x2d: {  	s3 =	simm.s32 $0x108;
	s8 =	sld [smem:$0x3FAB]  }
0x2e: {  	s3 =	simm.s32 @!p0 $0x1082;
	s9 =	sld [smem:$0x3FAC]  }
0x2f: {  	lr =	sadd.s32 s0, s3;
	s0 =	sld [smem:$0x3FA3]  }
0x30: {  	s3 =	sld [smem:$0x3FA6]  }
0x31: {  	[smem:$0x3FAF] =	sst s10  }
0x32: {  	s10 =	sld [smem:$0x3FAD];
	_ =	sdelay $0x3  }
0x33: {  	p0 =	seq.s32 s10, $0x1;
	s10 =	sld [smem:$0x3FAF];
	_ =	sdelay $0x3  }
0x34: {  	[smem:$0x3FAF] =	sst s10  }
0x35: {  	s10 =	sld [smem:$0x3FAE];
	_ =	sdelay $0x3  }
0x36: {  	p1 =	seq.s32 s10, $0x1;
	s10 =	sld [smem:$0x3FAF];
	_ =	sdelay $0x3  }
0x37: {  	[smem:$0x3FAF] =	sst s10  }
0x38: {  	s10 =	sld [smem:$0x3FB0]  }
0x39: {  	_ = 	snop;
	(pc) =	sbr.ind lr, $3  }
0x3a: {  	_ = 	snop  }
0x3b: {  	_ = 	snop  }
0x3c: {  	p2 =	seq.s32 s10, $0x1;
	s10 =	sld [smem:$0x3FAF]  }
0x3d: {  	_ =	shalt  }
0x3e: {  	_ =	shalt  }
0x3f: {  	_ =	shalt  }
0x40: {  	_ =	shalt  }
0x41: {  	_ =	shalt  }
0x42: {  	_ =	shalt  }
0x43: {  	_ =	shalt  }
0x44: {  	_ =	shalt  }
0x45: {  	_ =	shalt  }
0x46: {  	_ =	shalt  }
0x47: {  	_ =	shalt  }
0x48: {  	_ =	shalt  }
0x49: {  	_ =	shalt  }
0x4a: {  	_ =	shalt  }
0x4b: {  	_ =	shalt  }
0x4c: {  	_ =	shalt  }
0x4d: {  	_ =	shalt  }
0x4e: {  	_ =	shalt  }
0x4f: {  	_ =	shalt  }
0x50: {  	_ =	shalt  }
0x51: {  	_ =	shalt  }
0x52: {  	_ =	shalt  }
0x53: {  	_ =	shalt  }
0x54: {  	_ =	shalt  }
0x55: {  	_ =	shalt  }
0x56: {  	_ =	shalt  }
0x57: {  	_ =	shalt  }
0x58: {  	_ =	shalt  }
0x59: {  	_ =	shalt  }
0x5a: {  	_ =	shalt  }
0x5b: {  	_ =	shalt  }
0x5c: {  	_ =	shalt  }
0x5d: {  	_ =	shalt  }
0x5e: {  	_ =	shalt  }
0x5f: {  	_ =	shalt  }
0x60: {  	_ =	shalt  }
0x61: {  	_ =	shalt  }
0x62: {  	_ =	shalt  }
0x63: {  	_ =	shalt  }
0x64: {  	_ =	shalt  }
0x65: {  	_ =	shalt  }
0x66: {  	_ =	shalt  }
0x67: {  	_ =	shalt  }
0x68: {  	_ =	shalt  }
0x69: {  	_ =	shalt  }
0x6a: {  	_ =	shalt  }
0x6b: {  	_ =	shalt  }
0x6c: {  	_ =	shalt  }
0x6d: {  	_ =	shalt  }
0x6e: {  	_ =	shalt  }
0x6f: {  	_ =	shalt  }
0x70: {  	_ =	shalt  }
0x71: {  	_ =	shalt  }
0x72: {  	_ =	shalt  }
0x73: {  	_ =	shalt  }
0x74: {  	_ =	shalt  }
0x75: {  	_ =	shalt  }
0x76: {  	_ =	shalt  }
0x77: {  	_ =	shalt  }
0x78: {  	_ =	shalt  }
0x79: {  	_ =	shalt  }
0x7a: {  	_ =	shalt  }
0x7b: {  	_ =	shalt  }
0x7c: {  	_ =	shalt  }
0x7d: {  	_ =	shalt  }
0x7e: {  	_ =	shalt  }
0x7f: {  	_ =	shalt  }
0x80: {  	_ =	shalt  }
0x81: {  	_ =	shalt  }
0x82: {  	_ =	shalt  }
0x83: {  	_ =	shalt  }
0x84: {  	_ =	shalt  }
0x85: {  	_ =	shalt  }
0x86: {  	_ =	shalt  }
0x87: {  	_ =	shalt  }
.Lfunc_end0:
.L_simem_size_0:
called_computation.1_lowered:
.L_overlay_start_0:
0x88: {  	s2 =	sld [smem:$0x3FD9]  }
0x89: {  	s3 =	sld [smem:$0x3FFE];
	_ =	sdelay $0x1  }
0x8a: {  	s1 =	srdreg.scid  }
0x8b: {  	s0 =	sand.u32 $0x1, s1  }
0x8c: {  	s16 =	sshll.u32 s0, $0xA;
	s2 =	sadd.s32 s3, s2  }
0x8d: {  	s2 =	sadd.s32 s2, s16  }
0x8e: {  	[smem:$0x3FBB] =	sst s2  }
0x8f: {  	_ = 	snop  }
0x90: {  	(tm) =	ssettm $0x1  }
0x91: {  	s17 =	sld [smem:$0x3FFB];
	_ =	sdelay $0x3  }
0x92: {  	_ =	strace s17  }
0x93: {  	s2 =	sld [smem:$0x3FFC];
	_ =	sdelay $0x3  }
0x94: {  	_ =	strace s2  }
0x95: {  	s2 =	sld [smem:$0x3FFD];
	_ =	sdelay $0x3  }
0x96: {  	_ =	strace s2  }
0x97: {  	_ =	strace $0x8FFFFFFF  }
0x98: {  	s18 =	sld [smem:$0x3FDB];
	_ =	sdelay $0x1  }
0x99: {  	s19 =	simm.s32 $_scs_section_size  }
0x9a: {  	s4 =	simm.s32 $_size__tile_overlayer_lowered;
	s5 =	simm.s32 $_tile_overlayer_lowered  }
0x9b: {  	s22 =	simm.s32 $0x1BFF;
	s21 =	sshll.u32 s5, $0x1;
	s2 =	sadd.s32 s19, s18  }
0x9c: {  	s6 =	simm.s32 $0x0;
	s20 =	sshll.u32 s4, $0x1;
	s4 =	sadd.s32 s21, s2  }
0x9d: {  	[timem:s6], [sflag:s22] =	dma.local [hbm:s4], s20  }
0x9e: {  	_ =	swait.ge [sflag:s22], s20  }
0x9f: {  	s3 =	ssub.s32 $0x0, s20;
	[sflag:s22] =	ssyncset.done $0x0  }
0xa0: {  	[sflag:s22] =	ssyncadd.s32 s3;
	_ =	sdelay $0x1  }
0xa1: {  	s23 =	simm.s32 $0x1B8B  }
0xa2: {  	_ =	swait.ge [sflag:s23], $0x1  }
0xa3: {  	[sflag:s23] =	ssyncset.done $0x0  }
0xa4: {  	s25 =	simm.s32 $0x1B8E;
	s24 =	sld [smem:$0x3FFE];
	[sflag:s23] =	ssyncadd.s32 $0xFFFFFFFF  }
0xa5: {  	s26 =	simm.s32 $execute0_lowered;
	[smem:$0x3FD2] =	sst s25  }
0xa6: {  	s4 =	sshll.u32 s26, $0x1;
	_ =	strace $0x80000049;
	[dreg:$0x1] =	wrdreg $0xFFFFFFFF  }
0xa7: {  	s28 =	simm.s32 $_size_execute0_lowered;
	s2 =	sadd.s32 s2, s4;
	[dreg:$0x0] =	wrdreg $0x0  }
0xa8: {  	s4 =	sshll.u32 s28, $0x1;
	[dreg:$0x2] =	wrdreg s2  }
0xa9: {  	[dreg:$0x3] =	wrdreg s4  }
0xaa: {  	[dreg:$0x4] =	wrdreg $0xC0  }
0xab: {  	_ =	task [dreg:s6], $0x5FFFF  }
0xac: {  	[dreg:$0x1] =	wrdreg $0xFFFFFFFF  }
0xad: {  	[dreg:$0x0] =	wrdreg $0x60  }
0xae: {  	[dreg:$0x2] =	wrdreg s24  }
0xaf: {  	[dreg:$0x3] =	wrdreg $0x31000  }
0xb0: {  	[dreg:$0x4] =	wrdreg $0x9  }
0xb1: {  	_ =	task.clear_ibuf [dreg:s6], $0x5FFFF;
	_ =	strace $0x90000049  }
0xb2: {  	s29 =	simm.s32 $0x9;
	_ =	strace $0x8000004B  }
0xb3: {  	_ =	swait.ge [sflag:s29], $0x1  }
0xb4: {  	[sflag:s29] =	ssyncadd.s32 $0xFFFFFFFF  }
0xb5: {  	_ =	strace $0x9000004B  }
0xb6: {  	_ =	sfence  }
0xb7: {  	s30 =	sld [smem:$0x0];
	_ =	sdelay $0x2  }
0xb8: {  	s31 =	sshll.u32 s1, $0xD;
	s1 =	sshrl.u32 s1, $0x2  }
0xb9: {  	s3 =	sand.u32 $0x4000, s31;
	s1 =	sadd.s32 s1, s30  }
0xba: {  	s0 =	sor.u32 s3, s0;
	s1 =	sshll.u32 s1, $0x11  }
0xbb: {  	s0 =	sor.u32 s1, s0  }
0xbc: {  	s0 =	sadd.s32 $0x8F2B, s0  }
0xbd: {  	[sflag:s0] =	ssyncadd.remote.s32 $0x1  }
0xbe: {  	_ =	sfence.sel $0xFFFF  }
0xbf: {  	[dreg:$0x0] =	wrdreg $0xFFFFFFFF;
	(pc) =	sbr.abs _section_cstart, $3  }
0xc0: {  	[dreg:$0x1] =	wrdreg $0xFFFFFFFF  }
0xc1: {  	_ =	task.clear_ibuf [dreg:s6], $0x2FFFF;
	_ =	strace $0x9FFFFFFF  }
0xc2: {  	(tm) =	ssettm $0x7FFFFFFF  }
0xc3: {  	_ =	shalt  }
tec
execute0_lowered:
.L_overlay_start_1:
0x0: {  	(tag) =	ssettag $0x1  }
0x1: {  	s5 =	rddreg [dreg:$0x0]  }
0x2: {  	s2 =	rddreg [dreg:$0x1]  }
0x3: {  	s0 =	srdreg.scid;
	s1 =	rddreg [dreg:$0x2]  }
0x4: {  	s3 =	simm.s32 $0x0;
	s14 =	simm.s32 $0x100;
	s6 =	sand.u32 $0x1, s0  }
0x5: {  	s15 =	simm.s32 $0x2;
	s0 =	stileid.u32;
	s4 =	smul.u32 $0x14000, s6  }
0x6: {  	s16 =	simm.s32 $0x80;
	s17 =	simm.s32 $0x1;
	s7 =	smul.u32 $0x1400, s0  }
0x7: {  	s20 =	simm.s32 $0x0;
	[smem:$0x7FF] =	sst s3;
	s8 =	smul.u32 $0xF000, s0  }
0x8: {  	s28 =	smul.u32 $0xF0000, s6;
	_ =	strace $0x8000004A;
	s6 =	ssub.s32 $0x2, s6  }
0x9: {  	s10 =	smul.u32 $0x3C000, s0;
	s18 =	sshll.u32 s0, $0x6;
	s31 =	sshrl.u32 s6, $0x1  }
0xa: {  	s18 =	sor.u32 $0x1C02, s18;
	s4 =	sadd.s32 s7, s4;
	s7 =	sadd.s32 s8, s28  }
0xb: {  	s29 =	sshrl.u32 s10, $0x2;
	s11 =	ssub.s32 s6, s31;
	s9 =	sshrl.u32 s4, $0x3  }
0xc: {  	s4 =	sadd.s32 $0x34A00, s5;
	s7 =	sshrl.u32 s7, $0x3;
	s11 =	smax.u32 s11, $0x1  }
0xd: {  	s13 =	sadd.s32 s9, s5;
	s30 =	sadd.s32 s7, s5;
	s9 =	sadd.s32 s29, s2  }
0xe: {  	s5 =	sadd.s32 s8, s2;
	s6 =	sadd.s32 $0x3000, s9;
	s7 =	sadd.s32 $0x6000, s9  }
0xf: {  	s8 =	sadd.s32 $0x9000, s9;
	s9 =	sadd.s32 $0xC000, s9;
	s10 =	sadd.s32 $0xACA00, s30  }
0x10: {  	v0 =	vimm.f32 $0.0e+00;
	s12 =	sadd.s32 $0x2A00, s13;
	s13 =	sadd.s32 $0x7A00, s13;
	s19 =	sshrl.u32 s5, $0x3  }
.LBB2_1:
0x11: {  	s21 =	simm.s32 $0x0  }
0x12: {  	[tilespmem:s21+$0x150] =	vst v0  }
0x13: {  	[tilespmem:s21+$0x100] =	vst v0  }
0x14: {  	[tilespmem:s21+$0x110] =	vst v0  }
0x15: {  	[tilespmem:s21+$0x120] =	vst v0  }
0x16: {  	s22 =	simm.s32 $0x180;
	[tilespmem:s21+$0x130] =	vst v0  }
.LBB2_2:
0x17: {  	p0 =	sne.s32 s22, $0xBE80;
	[tilespmem:s21+$0x140] =	vst v0;
	s21 =	sshra.s32 s22, $0x2;
	s22 =	sadd.s32 $0x180, s22  }
.Ltmp0:
0x18: {  	[tilespmem:s21+$0x150] =	vst v0;
	(pc) =	sbr.rel @p0 .LBB2_2-.Ltmp0, $4  }
0x19: {  	[tilespmem:s21+$0x100] =	vst v0  }
0x1a: {  	[tilespmem:s21+$0x110] =	vst v0  }
0x1b: {  	[tilespmem:s21+$0x120] =	vst v0  }
0x1c: {  	[tilespmem:s21+$0x130] =	vst v0  }
0x1d: {  	[tilespmem:s21+$0x140] =	vst v0  }
0x1e: {  	[spmem:s5] =	stream.linear.scatter [tilespmem:s14], [sflag:$0x2], $0x3000, $0x38;
	[tilespmem:$0x12100] =	vst v63  }
0x1f: {  	_ =	swait.ge [sflag:s15], $0x3000  }
0x20: {  	[sflag:s15] =	ssyncset.done $0x0  }
0x21: {  	[sflag:s15] =	ssyncadd.s32 $0xFFFFD000  }
0x22: {  	[spmem:s6] =	stream.linear.scatter [tilespmem:s14], [sflag:$0x2], $0x3000, $0x38;
	[tilespmem:$0x12100] =	vst v63  }
0x23: {  	_ =	swait.ge [sflag:s15], $0x3000  }
0x24: {  	[sflag:s15] =	ssyncset.done $0x0  }
0x25: {  	[sflag:s15] =	ssyncadd.s32 $0xFFFFD000  }
0x26: {  	[spmem:s7] =	stream.linear.scatter [tilespmem:s14], [sflag:$0x2], $0x3000, $0x38;
	[tilespmem:$0x12100] =	vst v63  }
0x27: {  	_ =	swait.ge [sflag:s15], $0x3000  }
0x28: {  	[sflag:s15] =	ssyncset.done $0x0  }
0x29: {  	[sflag:s15] =	ssyncadd.s32 $0xFFFFD000  }
0x2a: {  	[spmem:s8] =	stream.linear.scatter [tilespmem:s14], [sflag:$0x2], $0x3000, $0x38;
	[tilespmem:$0x12100] =	vst v63  }
0x2b: {  	_ =	swait.ge [sflag:s15], $0x3000  }
0x2c: {  	[sflag:s15] =	ssyncset.done $0x0  }
0x2d: {  	[sflag:s15] =	ssyncadd.s32 $0xFFFFD000  }
0x2e: {  	[spmem:s9] =	stream.linear.scatter [tilespmem:s14], [sflag:$0x2], $0x3000, $0x38;
	[tilespmem:$0x12100] =	vst v63  }
0x2f: {  	_ =	swait.ge [sflag:s15], $0x3000  }
0x30: {  	[sflag:s15] =	ssyncset.done $0x0  }
0x31: {  	[sflag:s15] =	ssyncadd.s32 $0xFFFFD000  }
0x32: {  	s30 =	sadd.s32 $0x0, s13;
	[bflag:$0x0] =	sbarrier.arrive $0xFFFF  }
0x33: {  	[tilespmem:s3], [sflag:$0x2] =	stream.linear.gather [hbm4b:s30+s3], $0x80, $0x38;
	[tilespmem:$0x12100] =	vst v63  }
0x34: {  	_ =	swait.ge [sflag:s15], $0x80  }
0x35: {  	[sflag:s15] =	ssyncset.done $0x0  }
0x36: {  	s31 =	sadd.s32 $0x0, s12;
	[sflag:s15] =	ssyncadd.s32 $0xFFFFFF80  }
0x37: {  	[tilespmem:s16], [sflag:$0x2] =	stream.linear.gather [hbm4b:s31+s3], $0x80, $0x38;
	[tilespmem:$0x12100] =	vst v63  }
0x38: {  	_ =	swait.ge [sflag:s15], $0x80  }
0x39: {  	[sflag:s15] =	ssyncset.done $0x0  }
0x3a: {  	[sflag:s15] =	ssyncadd.s32 $0xFFFFFF80  }
0x3b: {  	[tilespmem:s14], [sflag:$0x1] =	stream.indirect.gather [hbm4b:s4+s16], $0x60, s3, s16, $0xb8;
	[tilespmem:$0x12100] =	vst v63  }
0x3c: {  	_ =	swait.ge [sflag:s17], $0x3000  }
0x3d: {  	[sflag:s17] =	ssyncset.done $0x0  }
0x3e: {  	[sflag:s17] =	ssyncadd.s32 $0xFFFFD000  }
0x3f: {  	[spmem:s2] =	stream.indirect.scatter.add.f32 [tilespmem:s14], [sflag:$0x2], $0x60, s16, s16, $0xb8;
	[tilespmem:$0x12100] =	vst v63  }
0x40: {  	_ =	swait.ge [sflag:s15], $0x3000  }
0x41: {  	s21 =	simm.s32 $0x10;
	s22 =	simm.s32 $0x20;
	[sflag:s15] =	ssyncset.done $0x0  }
.LBB2_4:
0x42: {  	s23 =	sadd.s32 s21, s13  }
0x43: {  	[sflag:s15] =	ssyncadd.s32 $0xFFFFD000;
	s24 =	smov.u32 s22;
	s25 =	sadd.s32 $0x10, s22  }
0x44: {  	[tilespmem:s3], [sflag:$0x2] =	stream.linear.gather [hbm4b:s23+s3], $0x80, $0x38;
	[tilespmem:$0x12100] =	vst v63  }
0x45: {  	p0 =	sne.s32 s22, $0x270;
	_ =	swait.ge [sflag:s15], $0x80  }
0x46: {  	[sflag:s15] =	ssyncset.done $0x0  }
0x47: {  	s22 =	sadd.s32 s21, s12;
	s21 =	smov.u32 s24;
	[sflag:s15] =	ssyncadd.s32 $0xFFFFFF80  }
0x48: {  	[tilespmem:s16], [sflag:$0x2] =	stream.linear.gather [hbm4b:s22+s3], $0x80, $0x38;
	[tilespmem:$0x12100] =	vst v63  }
0x49: {  	_ =	swait.ge [sflag:s15], $0x80  }
0x4a: {  	[sflag:s15] =	ssyncset.done $0x0  }
0x4b: {  	[sflag:s15] =	ssyncadd.s32 $0xFFFFFF80  }
0x4c: {  	[tilespmem:s14], [sflag:$0x1] =	stream.indirect.gather [hbm4b:s4+s16], $0x60, s3, s16, $0xb8;
	[tilespmem:$0x12100] =	vst v63  }
0x4d: {  	_ =	swait.ge [sflag:s17], $0x3000  }
.Ltmp1:
0x4e: {  	[sflag:s17] =	ssyncset.done $0x0;
	(pc) =	sbr.rel @p0 .LBB2_4-.Ltmp1, $4  }
0x4f: {  	[sflag:s17] =	ssyncadd.s32 $0xFFFFD000  }
0x50: {  	[spmem:s2] =	stream.indirect.scatter.add.f32 [tilespmem:s14], [sflag:$0x2], $0x60, s16, s16, $0xb8;
	[tilespmem:$0x12100] =	vst v63  }
0x51: {  	_ =	swait.ge [sflag:s15], $0x3000  }
0x52: {  	s22 =	smov.u32 s25;
	[sflag:s15] =	ssyncset.done $0x0  }
0x53: {  	s22 =	sadd.s32 s21, s13;
	[sflag:s15] =	ssyncadd.s32 $0xFFFFD000  }
0x54: {  	[tilespmem:s3], [sflag:$0x2] =	stream.linear.gather [hbm4b:s22+s3], $0x80, $0x38;
	[tilespmem:$0x12100] =	vst v63  }
0x55: {  	_ =	swait.ge [sflag:s15], $0x80  }
0x56: {  	[sflag:s15] =	ssyncset.done $0x0  }
0x57: {  	s31 =	sadd.s32 s21, s12;
	[sflag:s15] =	ssyncadd.s32 $0xFFFFFF80  }
0x58: {  	[tilespmem:s16], [sflag:$0x2] =	stream.linear.gather [hbm4b:s31+s3], $0x80, $0x38;
	[tilespmem:$0x12100] =	vst v63  }
0x59: {  	_ =	swait.ge [sflag:s15], $0x80  }
0x5a: {  	[sflag:s15] =	ssyncset.done $0x0  }
0x5b: {  	[sflag:s15] =	ssyncadd.s32 $0xFFFFFF80  }
0x5c: {  	[tilespmem:s14], [sflag:$0x1] =	stream.indirect.gather [hbm4b:s4+s16], $0x60, s3, s16, $0xb8;
	[tilespmem:$0x12100] =	vst v63  }
0x5d: {  	_ =	swait.ge [sflag:s17], $0x3000  }
0x5e: {  	[sflag:s17] =	ssyncset.done $0x0  }
0x5f: {  	[sflag:s17] =	ssyncadd.s32 $0xFFFFD000  }
0x60: {  	[spmem:s2] =	stream.indirect.scatter.add.f32 [tilespmem:s14], [sflag:$0x2], $0x60, s16, s16, $0xb8;
	[tilespmem:$0x12100] =	vst v63  }
0x61: {  	_ =	swait.ge [sflag:s15], $0x3000  }
0x62: {  	s20 =	sadd.s32 $0x1, s20;
	[sflag:s15] =	ssyncset.done $0x0  }
0x63: {  	p0 =	sne.s32 s20, s11;
	[sflag:s15] =	ssyncadd.s32 $0xFFFFD000  }
.Ltmp2:
0x64: {  	[bflag:$0x0] =	sbarrier.arrive $0xFFFF;
	(pc) =	sbr.rel @p0 .LBB2_1-.Ltmp2, $4  }
0x65: {  	[hbm:s10], [sflag:s18] =	dma.local [spmem:s19], $0x1E00  }
0x66: {  	_ =	swait.ge [sflag:s15], $0x1E00  }
0x67: {  	[sflag:s15] =	ssyncset.done $0x0  }
0x68: {  	[sflag:s15] =	ssyncadd.s32 $0xFFFFE200  }
0x69: {  	_ =	sfence.sel $0x180000  }
0x6a: {  	[bflag:$0x0] =	sbarrier.arrive $0xFFFF  }
0x6b: {  	p0 =	sne.s32 s0, $0x0;
	_ =	strace $0x9000004A  }
0x6c: {  	s0 =	sadd.s32 @!p0 $0x100000, s1;
	[bflag:$0x2] =	sbarrier.arrive $0xFFFF  }
0x6d: {  	[sflag:s0] =	ssyncadd.tile.s32 @!p0 $0x1;
	_ =	shalt  }
.Lfunc_end2:
_tile_overlayer_lowered:
.L_overlay_start_2:
0x6e: {  	(tag) =	ssettag $0x2  }
0x6f: {  	s0 =	rddreg [dreg:$0x0];
	s2 =	stileid.u32  }
0x70: {  	s1 =	rddreg [dreg:$0x1];
	p0 =	sne.s32 s2, $0x0  }
0x71: {  	s3 =	rddreg [dreg:$0x2];
	[bflag:$0x3] =	sbarrier.arrive $0xFFFF;
	s2 =	simm.s32 @!p0 $0x1C02  }
0x72: {  	[timem:s3], [sflag:s2] =	dma.local @!p0 [hbm:s0], s1  }
0x73: {  	s0 =	simm.s32 @!p0 $0x2  }
0x74: {  	_ =	swait.ge @!p0 [sflag:s0], s1  }
0x75: {  	s1 =	ssub.s32 @!p0 $0x0, s1;
	[sflag:s0] =	ssyncset.done @!p0 $0x0  }
0x76: {  	[sflag:s0] =	ssyncadd.s32 @!p0 s1  }
0x77: {  	[bflag:$0x3] =	sbarrier.arrive $0xFFFF  }
0x78: {  	_ =	shalt  }

// kernel: kernel.13.cloned.1.call-start
scs
__scs_entry_jumppad:
0x0: {  	(pc) =	sbr.rel $0x88, $3  }
0x1: {  	(tag) =	ssettag $0x0;
	lr =	simm.s32 $0x1  }
0x2: {  	[smem:$0x3F94] =	sst lr;
	_ =	strace $0xD0000000  }
0x3: {  	_ = 	snop  }
0x4: {  	_ = 	snop  }
0x5: {  	_ = 	snop  }
0x6: {  	_ = 	snop  }
0x7: {  	_ = 	snop  }
__scs_overlays_trampoline_lowered:
0x8: {  	[smem:$0x3FA3] =	sst s0  }
0x9: {  	[smem:$0x3FA4] =	sst s1  }
0xa: {  	[smem:$0x3FA5] =	sst s2  }
0xb: {  	[smem:$0x3FA6] =	sst s3  }
0xc: {  	[smem:$0x3FA7] =	sst s4  }
0xd: {  	[smem:$0x3FA8] =	sst s5  }
0xe: {  	[smem:$0x3FA9] =	sst s6  }
0xf: {  	[smem:$0x3FAA] =	sst s7  }
0x10: {  	[smem:$0x3FAB] =	sst s8  }
0x11: {  	[smem:$0x3FAC] =	sst s9;
	s0 =	simm.s32 @!p0 $0x0  }
0x12: {  	s1 =	sld [smem:$0x3F92];
	s0 =	simm.s32 @p0 $0x1  }
0x13: {  	[smem:$0x3FAD] =	sst s0;
	s0 =	simm.s32 @!p1 $0x0  }
0x14: {  	s2 =	sld [smem:$0x3F91];
	s0 =	simm.s32 @p1 $0x1  }
0x15: {  	[smem:$0x3FAE] =	sst s0;
	s0 =	simm.s32 @!p2 $0x0  }
0x16: {  	s3 =	sld [smem:$0x3FDB];
	s0 =	simm.s32 @p2 $0x1  }
0x17: {  	s4 =	simm.s32 $0x1BF5;
	[smem:$0x3FB0] =	sst s0  }
0x18: {  	s0 =	sld [smem:$0x3F93];
	_ =	swait.ge [sflag:s4], $0x0  }
0x19: {  	s7 =	sld [smem:$0x3F94]  }
0x1a: {  	s8 =	sadd.s32 $0xFFFFE003, lr  }
0x1b: {  	s9 =	sadd.s32 $0xFFFFFEF7, lr;
	s5 =	simm.s32 $0xFFFFFFFF;
	p2 =	slt.u32 s8, $0xFFFFF086  }
0x1c: {  	p1 =	slt.u32 s9, $0xF7A;
	s5 =	simm.s32 @!p2 $0x0  }
0x1d: {  	s5 =	simm.s32 @p1 $0x1;
	p0 =	seq.s32 s7, s2  }
0x1e: {  	s7 =	smul.u32 @!p0 $0xF7A, s2;
	p2 =	seq.s32 @!p0 s5, $0x0  }
0x1f: {  	s9 =	smul.u32 $0xF7A, s1;
	s8 =	simm.s32 @!p0 $0x1BF5;
	p2 =	por !p2, p0  }
0x20: {  	[sflag:s8] =	ssyncset.s32 @!p0 $0xFFFFF086;
	s6 =	sadd.s32 @!p0 s3, s7;
	s7 =	simm.s32 @!p0 $0x108  }
0x21: {  	s3 =	sadd.s32 s3, s9;
	s6 =	sadd.s32 @!p0 $0x88, s6;
	s7 =	simm.s32 @p2 $0x1082  }
0x22: {  	[simem:s7], [sflag:s8] =	dma.local @!p0 [hbm:s6], $0xF7A  }
0x23: {  	s9 =	sor.u32 $0xD0000000, s2;
	s6 =	simm.s32 $0x108;
	_ =	swait.ge @!p0 [sflag:s8], $0x0  }
0x24: {  	s3 =	sadd.s32 $0x88, s3;
	s6 =	simm.s32 @!p1 $0x1082;
	[sflag:s4] =	ssyncset.s32 $0xFFFFF086  }
0x25: {  	[simem:s6], [sflag:s4] =	dma.local [hbm:s3], $0xF7A  }
0x26: {  	[smem:$0x3F94] =	sst s1;
	(tag) =	ssettag s2;
	_ =	strace s9  }
0x27: {  	s1 =	sld [smem:$0x3FA4]  }
0x28: {  	s2 =	sld [smem:$0x3FA5]  }
0x29: {  	s4 =	sld [smem:$0x3FA7]  }
0x2a: {  	p0 =	seq.s32 s5, $0x0;
	s5 =	sld [smem:$0x3FA8]  }
0x2b: {  	s6 =	sld [smem:$0x3FA9]  }
0x2c: {  	s7 =	sld [smem:$0x3FAA]  }
0x2d: {  	s3 =	simm.s32 $0x108;
	s8 =	sld [smem:$0x3FAB]  }
0x2e: {  	s3 =	simm.s32 @!p0 $0x1082;
	s9 =	sld [smem:$0x3FAC]  }
0x2f: {  	lr =	sadd.s32 s0, s3;
	s0 =	sld [smem:$0x3FA3]  }
0x30: {  	s3 =	sld [smem:$0x3FA6]  }
0x31: {  	[smem:$0x3FAF] =	sst s10  }
0x32: {  	s10 =	sld [smem:$0x3FAD];
	_ =	sdelay $0x3  }
0x33: {  	p0 =	seq.s32 s10, $0x1;
	s10 =	sld [smem:$0x3FAF];
	_ =	sdelay $0x3  }
0x34: {  	[smem:$0x3FAF] =	sst s10  }
0x35: {  	s10 =	sld [smem:$0x3FAE];
	_ =	sdelay $0x3  }
0x36: {  	p1 =	seq.s32 s10, $0x1;
	s10 =	sld [smem:$0x3FAF];
	_ =	sdelay $0x3  }
0x37: {  	[smem:$0x3FAF] =	sst s10  }
0x38: {  	s10 =	sld [smem:$0x3FB0]  }
0x39: {  	_ = 	snop;
	(pc) =	sbr.ind lr, $3  }
0x3a: {  	_ = 	snop  }
0x3b: {  	_ = 	snop  }
0x3c: {  	p2 =	seq.s32 s10, $0x1;
	s10 =	sld [smem:$0x3FAF]  }
0x3d: {  	_ =	shalt  }
0x3e: {  	_ =	shalt  }
0x3f: {  	_ =	shalt  }
0x40: {  	_ =	shalt  }
0x41: {  	_ =	shalt  }
0x42: {  	_ =	shalt  }
0x43: {  	_ =	shalt  }
0x44: {  	_ =	shalt  }
0x45: {  	_ =	shalt  }
0x46: {  	_ =	shalt  }
0x47: {  	_ =	shalt  }
0x48: {  	_ =	shalt  }
0x49: {  	_ =	shalt  }
0x4a: {  	_ =	shalt  }
0x4b: {  	_ =	shalt  }
0x4c: {  	_ =	shalt  }
0x4d: {  	_ =	shalt  }
0x4e: {  	_ =	shalt  }
0x4f: {  	_ =	shalt  }
0x50: {  	_ =	shalt  }
0x51: {  	_ =	shalt  }
0x52: {  	_ =	shalt  }
0x53: {  	_ =	shalt  }
0x54: {  	_ =	shalt  }
0x55: {  	_ =	shalt  }
0x56: {  	_ =	shalt  }
0x57: {  	_ =	shalt  }
0x58: {  	_ =	shalt  }
0x59: {  	_ =	shalt  }
0x5a: {  	_ =	shalt  }
0x5b: {  	_ =	shalt  }
0x5c: {  	_ =	shalt  }
0x5d: {  	_ =	shalt  }
0x5e: {  	_ =	shalt  }
0x5f: {  	_ =	shalt  }
0x60: {  	_ =	shalt  }
0x61: {  	_ =	shalt  }
0x62: {  	_ =	shalt  }
0x63: {  	_ =	shalt  }
0x64: {  	_ =	shalt  }
0x65: {  	_ =	shalt  }
0x66: {  	_ =	shalt  }
0x67: {  	_ =	shalt  }
0x68: {  	_ =	shalt  }
0x69: {  	_ =	shalt  }
0x6a: {  	_ =	shalt  }
0x6b: {  	_ =	shalt  }
0x6c: {  	_ =	shalt  }
0x6d: {  	_ =	shalt  }
0x6e: {  	_ =	shalt  }
0x6f: {  	_ =	shalt  }
0x70: {  	_ =	shalt  }
0x71: {  	_ =	shalt  }
0x72: {  	_ =	shalt  }
0x73: {  	_ =	shalt  }
0x74: {  	_ =	shalt  }
0x75: {  	_ =	shalt  }
0x76: {  	_ =	shalt  }
0x77: {  	_ =	shalt  }
0x78: {  	_ =	shalt  }
0x79: {  	_ =	shalt  }
0x7a: {  	_ =	shalt  }
0x7b: {  	_ =	shalt  }
0x7c: {  	_ =	shalt  }
0x7d: {  	_ =	shalt  }
0x7e: {  	_ =	shalt  }
0x7f: {  	_ =	shalt  }
0x80: {  	_ =	shalt  }
0x81: {  	_ =	shalt  }
0x82: {  	_ =	shalt  }
0x83: {  	_ =	shalt  }
0x84: {  	_ =	shalt  }
0x85: {  	_ =	shalt  }
0x86: {  	_ =	shalt  }
0x87: {  	_ =	shalt  }
.Lfunc_end0:
.L_simem_size_0:
called_computation.2_lowered:
.L_overlay_start_0:
0x88: {  	s2 =	sld [smem:$0x3FD9]  }
0x89: {  	s3 =	sld [smem:$0x3FFE];
	_ =	sdelay $0x1  }
0x8a: {  	s1 =	srdreg.scid  }
0x8b: {  	s0 =	sand.u32 $0x1, s1  }
0x8c: {  	s17 =	sshll.u32 s0, $0xA;
	s2 =	sadd.s32 s3, s2  }
0x8d: {  	s2 =	sadd.s32 s2, s17  }
0x8e: {  	[smem:$0x3FBB] =	sst s2  }
0x8f: {  	_ = 	snop  }
0x90: {  	(tm) =	ssettm $0x1  }
0x91: {  	s18 =	sld [smem:$0x3FFB];
	_ =	sdelay $0x3  }
0x92: {  	_ =	strace s18  }
0x93: {  	s2 =	sld [smem:$0x3FFC];
	_ =	sdelay $0x3  }
0x94: {  	_ =	strace s2  }
0x95: {  	s2 =	sld [smem:$0x3FFD];
	_ =	sdelay $0x3  }
0x96: {  	_ =	strace s2  }
0x97: {  	_ =	strace $0x8FFFFFFF  }
0x98: {  	s19 =	sld [smem:$0x3FDB];
	_ =	sdelay $0x1  }
0x99: {  	s20 =	simm.s32 $_scs_section_size  }
0x9a: {  	s4 =	simm.s32 $_size__tile_overlayer_lowered;
	s5 =	simm.s32 $_tile_overlayer_lowered  }
0x9b: {  	s6 =	simm.s32 $0x1BFF;
	s21 =	sshll.u32 s5, $0x1;
	s3 =	sadd.s32 s20, s19  }
0x9c: {  	s22 =	simm.s32 $0x0;
	s4 =	sshll.u32 s4, $0x1;
	s5 =	sadd.s32 s21, s3  }
0x9d: {  	[timem:s22], [sflag:s6] =	dma.local [hbm:s5], s4  }
0x9e: {  	_ =	swait.ge [sflag:s6], s4  }
0x9f: {  	s4 =	ssub.s32 $0x0, s4;
	[sflag:s6] =	ssyncset.done $0x0  }
0xa0: {  	[sflag:s6] =	ssyncadd.s32 s4;
	_ =	sdelay $0x1  }
0xa1: {  	s23 =	simm.s32 $0x1B8B  }
0xa2: {  	_ =	swait.ge [sflag:s23], $0x1  }
0xa3: {  	[sflag:s23] =	ssyncset.done $0x0  }
0xa4: {  	[sflag:s23] =	ssyncadd.s32 $0xFFFFFFFF  }
0xa5: {  	s4 =	sld [smem:$0x0]  }
0xa6: {  	s5 =	sand.u32 $0xFFFFFFFE, s1  }
0xa7: {  	p0 =	sne.s32 s1, s5  }
0xa8: {  	s5 =	sshll.u32 @p0 s5, $0xE  }
0xa9: {  	s5 =	sadd.s32 @p0 $0x11B8D, s5;
	s6 =	sshll.u32 @p0 s4, $0x11  }
0xaa: {  	s5 =	sor.u32 @p0 s6, s5  }
0xab: {  	[sflag:s5] =	ssyncadd.remote.s32 @p0 $0x1;
	_ =	sdelay $0x1  }
0xac: {  	s5 =	simm.s32 @p0 $0x1B8D  }
0xad: {  	_ =	swait.eq @p0 [sflag:s5], $0x1  }
0xae: {  	[sflag:s5] =	ssyncadd.s32 @p0 $0xFFFFFFFF  }
0xaf: {  	s6 =	sshll.u32 @!p0 s1, $0xE  }
0xb0: {  	s6 =	sor.u32 @!p0 $0x4000, s6;
	s5 =	simm.s32 @!p0 $0x1B8D  }
0xb1: {  	s4 =	sshll.u32 @!p0 s4, $0x11;
	s6 =	sadd.s32 @!p0 $0x11B8D, s6;
	_ =	swait.eq @!p0 [sflag:s5], $0x1  }
0xb2: {  	s4 =	sor.u32 @!p0 s4, s6;
	[sflag:s5] =	ssyncadd.s32 @!p0 $0xFFFFFFFF  }
0xb3: {  	s25 =	simm.s32 $0x1B8E;
	s24 =	sld [smem:$0x3FFE];
	[sflag:s4] =	ssyncadd.remote.s32 @!p0 $0x1  }
0xb4: {  	s26 =	simm.s32 $execute0_lowered;
	[smem:$0x3FD2] =	sst s25  }
0xb5: {  	s5 =	sshll.u32 s26, $0x1;
	_ =	strace $0x8000004C;
	[dreg:$0x1] =	wrdreg $0xFFFFFFFF  }
0xb6: {  	s28 =	simm.s32 $_size_execute0_lowered;
	s3 =	sadd.s32 s3, s5;
	[dreg:$0x0] =	wrdreg $0x0  }
0xb7: {  	s5 =	sshll.u32 s28, $0x1;
	[dreg:$0x2] =	wrdreg s3  }
0xb8: {  	[dreg:$0x3] =	wrdreg s5  }
0xb9: {  	[dreg:$0x4] =	wrdreg $0xC0  }
0xba: {  	_ =	task [dreg:s22], $0x5FFFF  }
0xbb: {  	[dreg:$0x1] =	wrdreg $0xFFFFFFFF  }
0xbc: {  	[dreg:$0x0] =	wrdreg $0x60  }
0xbd: {  	[dreg:$0x2] =	wrdreg s24  }
0xbe: {  	[dreg:$0x3] =	wrdreg $0x31000  }
0xbf: {  	[dreg:$0x4] =	wrdreg $0xA  }
0xc0: {  	_ =	task.clear_ibuf [dreg:s22], $0x5FFFF;
	_ =	strace $0x9000004C  }
0xc1: {  	s29 =	simm.s32 $0xA;
	_ =	strace $0x8000004E  }
0xc2: {  	_ =	swait.ge [sflag:s29], $0x1  }
0xc3: {  	[sflag:s29] =	ssyncadd.s32 $0xFFFFFFFF  }
0xc4: {  	_ =	strace $0x9000004E  }
0xc5: {  	_ =	sfence  }
0xc6: {  	s30 =	sld [smem:$0x0];
	_ =	sdelay $0x2  }
0xc7: {  	s31 =	sshll.u32 s1, $0xD;
	s1 =	sshrl.u32 s1, $0x2  }
0xc8: {  	s4 =	sand.u32 $0x4000, s31;
	s1 =	sadd.s32 s1, s30  }
0xc9: {  	s0 =	sor.u32 s4, s0;
	s1 =	sshll.u32 s1, $0x11  }
0xca: {  	s0 =	sor.u32 s1, s0  }
0xcb: {  	s0 =	sadd.s32 $0x8F2B, s0  }
0xcc: {  	[sflag:s0] =	ssyncadd.remote.s32 $0x1  }
0xcd: {  	_ =	sfence.sel $0xFFFF  }
0xce: {  	[dreg:$0x0] =	wrdreg $0xFFFFFFFF;
	(pc) =	sbr.abs _section_cstart, $3  }
0xcf: {  	[dreg:$0x1] =	wrdreg $0xFFFFFFFF  }
0xd0: {  	_ =	task.clear_ibuf [dreg:s22], $0x2FFFF;
	_ =	strace $0x9FFFFFFF  }
0xd1: {  	(tm) =	ssettm $0x7FFFFFFF  }
tec
execute0_lowered:
.L_overlay_start_1:
0x0: {  	(tag) =	ssettag $0x1  }
0x1: {  	s5 =	rddreg [dreg:$0x0]  }
0x2: {  	s2 =	rddreg [dreg:$0x1]  }
0x3: {  	s0 =	srdreg.scid;
	s1 =	rddreg [dreg:$0x2]  }
0x4: {  	s3 =	simm.s32 $0x0;
	s14 =	simm.s32 $0x100;
	s6 =	sand.u32 $0x1, s0  }
0x5: {  	s15 =	simm.s32 $0x2;
	s0 =	stileid.u32;
	s4 =	smul.u32 $0x14000, s6  }
0x6: {  	s16 =	simm.s32 $0x80;
	s17 =	simm.s32 $0x1;
	s7 =	smul.u32 $0x1400, s0  }
0x7: {  	s20 =	simm.s32 $0x0;
	[smem:$0x7FF] =	sst s3;
	s8 =	smul.u32 $0xF000, s0  }
0x8: {  	s28 =	smul.u32 $0xF0000, s6;
	_ =	strace $0x8000004D;
	s6 =	ssub.s32 $0x2, s6  }
0x9: {  	s10 =	smul.u32 $0x3C000, s0;
	s18 =	sshll.u32 s0, $0x6;
	s31 =	sshrl.u32 s6, $0x1  }
0xa: {  	s18 =	sor.u32 $0x1C02, s18;
	s4 =	sadd.s32 s7, s4;
	s7 =	sadd.s32 s8, s28  }
0xb: {  	s29 =	sshrl.u32 s10, $0x2;
	s11 =	ssub.s32 s6, s31;
	s9 =	sshrl.u32 s4, $0x3  }
0xc: {  	s4 =	sadd.s32 $0xE8A00, s5;
	s7 =	sshrl.u32 s7, $0x3;
	s11 =	smax.u32 s11, $0x1  }
0xd: {  	s13 =	sadd.s32 s9, s5;
	s30 =	sadd.s32 s7, s5;
	s9 =	sadd.s32 s29, s2  }
0xe: {  	s5 =	sadd.s32 s8, s2;
	s6 =	sadd.s32 $0x3000, s9;
	s7 =	sadd.s32 $0x6000, s9  }
0xf: {  	s8 =	sadd.s32 $0x9000, s9;
	s9 =	sadd.s32 $0xC000, s9;
	s10 =	sadd.s32 $0x106A00, s30  }
0x10: {  	v0 =	vimm.f32 $0.0e+00;
	s12 =	sadd.s32 $0x2A00, s13;
	s13 =	sadd.s32 $0x7A00, s13;
	s19 =	sshrl.u32 s5, $0x3  }
.LBB2_1:
0x11: {  	s21 =	simm.s32 $0x0  }
0x12: {  	[tilespmem:s21+$0x150] =	vst v0  }
0x13: {  	[tilespmem:s21+$0x100] =	vst v0  }
0x14: {  	[tilespmem:s21+$0x110] =	vst v0  }
0x15: {  	[tilespmem:s21+$0x120] =	vst v0  }
0x16: {  	s22 =	simm.s32 $0x180;
	[tilespmem:s21+$0x130] =	vst v0  }
.LBB2_2:
0x17: {  	p0 =	sne.s32 s22, $0xBE80;
	[tilespmem:s21+$0x140] =	vst v0;
	s21 =	sshra.s32 s22, $0x2;
	s22 =	sadd.s32 $0x180, s22  }
.Ltmp0:
0x18: {  	[tilespmem:s21+$0x150] =	vst v0;
	(pc) =	sbr.rel @p0 .LBB2_2-.Ltmp0, $4  }
0x19: {  	[tilespmem:s21+$0x100] =	vst v0  }
0x1a: {  	[tilespmem:s21+$0x110] =	vst v0  }
0x1b: {  	[tilespmem:s21+$0x120] =	vst v0  }
0x1c: {  	[tilespmem:s21+$0x130] =	vst v0  }
0x1d: {  	[tilespmem:s21+$0x140] =	vst v0  }
0x1e: {  	[spmem:s5] =	stream.linear.scatter [tilespmem:s14], [sflag:$0x2], $0x3000, $0x38;
	[tilespmem:$0x12100] =	vst v63  }
0x1f: {  	_ =	swait.ge [sflag:s15], $0x3000  }
0x20: {  	[sflag:s15] =	ssyncset.done $0x0  }
0x21: {  	[sflag:s15] =	ssyncadd.s32 $0xFFFFD000  }
0x22: {  	[spmem:s6] =	stream.linear.scatter [tilespmem:s14], [sflag:$0x2], $0x3000, $0x38;
	[tilespmem:$0x12100] =	vst v63  }
0x23: {  	_ =	swait.ge [sflag:s15], $0x3000  }
0x24: {  	[sflag:s15] =	ssyncset.done $0x0  }
0x25: {  	[sflag:s15] =	ssyncadd.s32 $0xFFFFD000  }
0x26: {  	[spmem:s7] =	stream.linear.scatter [tilespmem:s14], [sflag:$0x2], $0x3000, $0x38;
	[tilespmem:$0x12100] =	vst v63  }
0x27: {  	_ =	swait.ge [sflag:s15], $0x3000  }
0x28: {  	[sflag:s15] =	ssyncset.done $0x0  }
0x29: {  	[sflag:s15] =	ssyncadd.s32 $0xFFFFD000  }
0x2a: {  	[spmem:s8] =	stream.linear.scatter [tilespmem:s14], [sflag:$0x2], $0x3000, $0x38;
	[tilespmem:$0x12100] =	vst v63  }
0x2b: {  	_ =	swait.ge [sflag:s15], $0x3000  }
0x2c: {  	[sflag:s15] =	ssyncset.done $0x0  }
0x2d: {  	[sflag:s15] =	ssyncadd.s32 $0xFFFFD000  }
0x2e: {  	[spmem:s9] =	stream.linear.scatter [tilespmem:s14], [sflag:$0x2], $0x3000, $0x38;
	[tilespmem:$0x12100] =	vst v63  }
0x2f: {  	_ =	swait.ge [sflag:s15], $0x3000  }
0x30: {  	[sflag:s15] =	ssyncset.done $0x0  }
0x31: {  	[sflag:s15] =	ssyncadd.s32 $0xFFFFD000  }
0x32: {  	s30 =	sadd.s32 $0x0, s13;
	[bflag:$0x0] =	sbarrier.arrive $0xFFFF  }
0x33: {  	[tilespmem:s3], [sflag:$0x2] =	stream.linear.gather [hbm4b:s30+s3], $0x80, $0x38;
	[tilespmem:$0x12100] =	vst v63  }
0x34: {  	_ =	swait.ge [sflag:s15], $0x80  }
0x35: {  	[sflag:s15] =	ssyncset.done $0x0  }
0x36: {  	s31 =	sadd.s32 $0x0, s12;
	[sflag:s15] =	ssyncadd.s32 $0xFFFFFF80  }
0x37: {  	[tilespmem:s16], [sflag:$0x2] =	stream.linear.gather [hbm4b:s31+s3], $0x80, $0x38;
	[tilespmem:$0x12100] =	vst v63  }
0x38: {  	_ =	swait.ge [sflag:s15], $0x80  }
0x39: {  	[sflag:s15] =	ssyncset.done $0x0  }
0x3a: {  	[sflag:s15] =	ssyncadd.s32 $0xFFFFFF80  }
0x3b: {  	[tilespmem:s14], [sflag:$0x1] =	stream.indirect.gather [hbm4b:s4+s16], $0x60, s3, s16, $0xb8;
	[tilespmem:$0x12100] =	vst v63  }
0x3c: {  	_ =	swait.ge [sflag:s17], $0x3000  }
0x3d: {  	[sflag:s17] =	ssyncset.done $0x0  }
0x3e: {  	[sflag:s17] =	ssyncadd.s32 $0xFFFFD000  }
0x3f: {  	[spmem:s2] =	stream.indirect.scatter.add.f32 [tilespmem:s14], [sflag:$0x2], $0x60, s16, s16, $0xb8;
	[tilespmem:$0x12100] =	vst v63  }
0x40: {  	_ =	swait.ge [sflag:s15], $0x3000  }
0x41: {  	s21 =	simm.s32 $0x10;
	s22 =	simm.s32 $0x20;
	[sflag:s15] =	ssyncset.done $0x0  }
.LBB2_4:
0x42: {  	s23 =	sadd.s32 s21, s13  }
0x43: {  	[sflag:s15] =	ssyncadd.s32 $0xFFFFD000;
	s24 =	smov.u32 s22;
	s25 =	sadd.s32 $0x10, s22  }
0x44: {  	[tilespmem:s3], [sflag:$0x2] =	stream.linear.gather [hbm4b:s23+s3], $0x80, $0x38;
	[tilespmem:$0x12100] =	vst v63  }
0x45: {  	p0 =	sne.s32 s22, $0x270;
	_ =	swait.ge [sflag:s15], $0x80  }
0x46: {  	[sflag:s15] =	ssyncset.done $0x0  }
0x47: {  	s22 =	sadd.s32 s21, s12;
	s21 =	smov.u32 s24;
	[sflag:s15] =	ssyncadd.s32 $0xFFFFFF80  }
0x48: {  	[tilespmem:s16], [sflag:$0x2] =	stream.linear.gather [hbm4b:s22+s3], $0x80, $0x38;
	[tilespmem:$0x12100] =	vst v63  }
0x49: {  	_ =	swait.ge [sflag:s15], $0x80  }
0x4a: {  	[sflag:s15] =	ssyncset.done $0x0  }
0x4b: {  	[sflag:s15] =	ssyncadd.s32 $0xFFFFFF80  }
0x4c: {  	[tilespmem:s14], [sflag:$0x1] =	stream.indirect.gather [hbm4b:s4+s16], $0x60, s3, s16, $0xb8;
	[tilespmem:$0x12100] =	vst v63  }
0x4d: {  	_ =	swait.ge [sflag:s17], $0x3000  }
.Ltmp1:
0x4e: {  	[sflag:s17] =	ssyncset.done $0x0;
	(pc) =	sbr.rel @p0 .LBB2_4-.Ltmp1, $4  }
0x4f: {  	[sflag:s17] =	ssyncadd.s32 $0xFFFFD000  }
0x50: {  	[spmem:s2] =	stream.indirect.scatter.add.f32 [tilespmem:s14], [sflag:$0x2], $0x60, s16, s16, $0xb8;
	[tilespmem:$0x12100] =	vst v63  }
0x51: {  	_ =	swait.ge [sflag:s15], $0x3000  }
0x52: {  	s22 =	smov.u32 s25;
	[sflag:s15] =	ssyncset.done $0x0  }
0x53: {  	s22 =	sadd.s32 s21, s13;
	[sflag:s15] =	ssyncadd.s32 $0xFFFFD000  }
0x54: {  	[tilespmem:s3], [sflag:$0x2] =	stream.linear.gather [hbm4b:s22+s3], $0x80, $0x38;
	[tilespmem:$0x12100] =	vst v63  }
0x55: {  	_ =	swait.ge [sflag:s15], $0x80  }
0x56: {  	[sflag:s15] =	ssyncset.done $0x0  }
0x57: {  	s31 =	sadd.s32 s21, s12;
	[sflag:s15] =	ssyncadd.s32 $0xFFFFFF80  }
0x58: {  	[tilespmem:s16], [sflag:$0x2] =	stream.linear.gather [hbm4b:s31+s3], $0x80, $0x38;
	[tilespmem:$0x12100] =	vst v63  }
0x59: {  	_ =	swait.ge [sflag:s15], $0x80  }
0x5a: {  	[sflag:s15] =	ssyncset.done $0x0  }
0x5b: {  	[sflag:s15] =	ssyncadd.s32 $0xFFFFFF80  }
0x5c: {  	[tilespmem:s14], [sflag:$0x1] =	stream.indirect.gather [hbm4b:s4+s16], $0x60, s3, s16, $0xb8;
	[tilespmem:$0x12100] =	vst v63  }
0x5d: {  	_ =	swait.ge [sflag:s17], $0x3000  }
0x5e: {  	[sflag:s17] =	ssyncset.done $0x0  }
0x5f: {  	[sflag:s17] =	ssyncadd.s32 $0xFFFFD000  }
0x60: {  	[spmem:s2] =	stream.indirect.scatter.add.f32 [tilespmem:s14], [sflag:$0x2], $0x60, s16, s16, $0xb8;
	[tilespmem:$0x12100] =	vst v63  }
0x61: {  	_ =	swait.ge [sflag:s15], $0x3000  }
0x62: {  	s20 =	sadd.s32 $0x1, s20;
	[sflag:s15] =	ssyncset.done $0x0  }
0x63: {  	p0 =	sne.s32 s20, s11;
	[sflag:s15] =	ssyncadd.s32 $0xFFFFD000  }
.Ltmp2:
0x64: {  	[bflag:$0x0] =	sbarrier.arrive $0xFFFF;
	(pc) =	sbr.rel @p0 .LBB2_1-.Ltmp2, $4  }
0x65: {  	[hbm:s10], [sflag:s18] =	dma.local [spmem:s19], $0x1E00  }
0x66: {  	_ =	swait.ge [sflag:s15], $0x1E00  }
0x67: {  	[sflag:s15] =	ssyncset.done $0x0  }
0x68: {  	[sflag:s15] =	ssyncadd.s32 $0xFFFFE200  }
0x69: {  	_ =	sfence.sel $0x180000  }
0x6a: {  	[bflag:$0x0] =	sbarrier.arrive $0xFFFF  }
0x6b: {  	p0 =	sne.s32 s0, $0x0;
	_ =	strace $0x9000004D  }
0x6c: {  	s0 =	sadd.s32 @!p0 $0x100000, s1;
	[bflag:$0x2] =	sbarrier.arrive $0xFFFF  }
0x6d: {  	[sflag:s0] =	ssyncadd.tile.s32 @!p0 $0x1;
	_ =	shalt  }
.Lfunc_end2:
_tile_overlayer_lowered:
.L_overlay_start_2:
0x6e: {  	(tag) =	ssettag $0x2  }
0x6f: {  	s0 =	rddreg [dreg:$0x0];
	s2 =	stileid.u32  }
0x70: {  	s1 =	rddreg [dreg:$0x1];
	p0 =	sne.s32 s2, $0x0  }
0x71: {  	s3 =	rddreg [dreg:$0x2];
	[bflag:$0x3] =	sbarrier.arrive $0xFFFF;
	s2 =	simm.s32 @!p0 $0x1C02  }
0x72: {  	[timem:s3], [sflag:s2] =	dma.local @!p0 [hbm:s0], s1  }
0x73: {  	s0 =	simm.s32 @!p0 $0x2  }
0x74: {  	_ =	swait.ge @!p0 [sflag:s0], s1  }
0x75: {  	s1 =	ssub.s32 @!p0 $0x0, s1;
	[sflag:s0] =	ssyncset.done @!p0 $0x0  }
0x76: {  	[sflag:s0] =	ssyncadd.s32 @!p0 s1  }
0x77: {  	[bflag:$0x3] =	sbarrier.arrive $0xFFFF  }
0x78: {  	_ =	shalt  }

// kernel: kernel.7.cloned.1.call-start
scs
__scs_entry_jumppad:
0x0: {  	(pc) =	sbr.rel $0x88, $3  }
0x1: {  	(tag) =	ssettag $0x0;
	lr =	simm.s32 $0x1  }
0x2: {  	[smem:$0x3F94] =	sst lr;
	_ =	strace $0xD0000000  }
0x3: {  	_ = 	snop  }
0x4: {  	_ = 	snop  }
0x5: {  	_ = 	snop  }
0x6: {  	_ = 	snop  }
0x7: {  	_ = 	snop  }
__scs_overlays_trampoline_lowered:
0x8: {  	[smem:$0x3FA3] =	sst s0  }
0x9: {  	[smem:$0x3FA4] =	sst s1  }
0xa: {  	[smem:$0x3FA5] =	sst s2  }
0xb: {  	[smem:$0x3FA6] =	sst s3  }
0xc: {  	[smem:$0x3FA7] =	sst s4  }
0xd: {  	[smem:$0x3FA8] =	sst s5  }
0xe: {  	[smem:$0x3FA9] =	sst s6  }
0xf: {  	[smem:$0x3FAA] =	sst s7  }
0x10: {  	[smem:$0x3FAB] =	sst s8  }
0x11: {  	[smem:$0x3FAC] =	sst s9;
	s0 =	simm.s32 @!p0 $0x0  }
0x12: {  	s1 =	sld [smem:$0x3F92];
	s0 =	simm.s32 @p0 $0x1  }
0x13: {  	[smem:$0x3FAD] =	sst s0;
	s0 =	simm.s32 @!p1 $0x0  }
0x14: {  	s2 =	sld [smem:$0x3F91];
	s0 =	simm.s32 @p1 $0x1  }
0x15: {  	[smem:$0x3FAE] =	sst s0;
	s0 =	simm.s32 @!p2 $0x0  }
0x16: {  	s3 =	sld [smem:$0x3FDB];
	s0 =	simm.s32 @p2 $0x1  }
0x17: {  	s4 =	simm.s32 $0x1BF5;
	[smem:$0x3FB0] =	sst s0  }
0x18: {  	s0 =	sld [smem:$0x3F93];
	_ =	swait.ge [sflag:s4], $0x0  }
0x19: {  	s7 =	sld [smem:$0x3F94]  }
0x1a: {  	s8 =	sadd.s32 $0xFFFFE003, lr  }
0x1b: {  	s9 =	sadd.s32 $0xFFFFFEF7, lr;
	s5 =	simm.s32 $0xFFFFFFFF;
	p2 =	slt.u32 s8, $0xFFFFF086  }
0x1c: {  	p1 =	slt.u32 s9, $0xF7A;
	s5 =	simm.s32 @!p2 $0x0  }
0x1d: {  	s5 =	simm.s32 @p1 $0x1;
	p0 =	seq.s32 s7, s2  }
0x1e: {  	s7 =	smul.u32 @!p0 $0xF7A, s2;
	p2 =	seq.s32 @!p0 s5, $0x0  }
0x1f: {  	s9 =	smul.u32 $0xF7A, s1;
	s8 =	simm.s32 @!p0 $0x1BF5;
	p2 =	por !p2, p0  }
0x20: {  	[sflag:s8] =	ssyncset.s32 @!p0 $0xFFFFF086;
	s6 =	sadd.s32 @!p0 s3, s7;
	s7 =	simm.s32 @!p0 $0x108  }
0x21: {  	s3 =	sadd.s32 s3, s9;
	s6 =	sadd.s32 @!p0 $0x88, s6;
	s7 =	simm.s32 @p2 $0x1082  }
0x22: {  	[simem:s7], [sflag:s8] =	dma.local @!p0 [hbm:s6], $0xF7A  }
0x23: {  	s9 =	sor.u32 $0xD0000000, s2;
	s6 =	simm.s32 $0x108;
	_ =	swait.ge @!p0 [sflag:s8], $0x0  }
0x24: {  	s3 =	sadd.s32 $0x88, s3;
	s6 =	simm.s32 @!p1 $0x1082;
	[sflag:s4] =	ssyncset.s32 $0xFFFFF086  }
0x25: {  	[simem:s6], [sflag:s4] =	dma.local [hbm:s3], $0xF7A  }
0x26: {  	[smem:$0x3F94] =	sst s1;
	(tag) =	ssettag s2;
	_ =	strace s9  }
0x27: {  	s1 =	sld [smem:$0x3FA4]  }
0x28: {  	s2 =	sld [smem:$0x3FA5]  }
0x29: {  	s4 =	sld [smem:$0x3FA7]  }
0x2a: {  	p0 =	seq.s32 s5, $0x0;
	s5 =	sld [smem:$0x3FA8]  }
0x2b: {  	s6 =	sld [smem:$0x3FA9]  }
0x2c: {  	s7 =	sld [smem:$0x3FAA]  }
0x2d: {  	s3 =	simm.s32 $0x108;
	s8 =	sld [smem:$0x3FAB]  }
0x2e: {  	s3 =	simm.s32 @!p0 $0x1082;
	s9 =	sld [smem:$0x3FAC]  }
0x2f: {  	lr =	sadd.s32 s0, s3;
	s0 =	sld [smem:$0x3FA3]  }
0x30: {  	s3 =	sld [smem:$0x3FA6]  }
0x31: {  	[smem:$0x3FAF] =	sst s10  }
0x32: {  	s10 =	sld [smem:$0x3FAD];
	_ =	sdelay $0x3  }
0x33: {  	p0 =	seq.s32 s10, $0x1;
	s10 =	sld [smem:$0x3FAF];
	_ =	sdelay $0x3  }
0x34: {  	[smem:$0x3FAF] =	sst s10  }
0x35: {  	s10 =	sld [smem:$0x3FAE];
	_ =	sdelay $0x3  }
0x36: {  	p1 =	seq.s32 s10, $0x1;
	s10 =	sld [smem:$0x3FAF];
	_ =	sdelay $0x3  }
0x37: {  	[smem:$0x3FAF] =	sst s10  }
0x38: {  	s10 =	sld [smem:$0x3FB0]  }
0x39: {  	_ = 	snop;
	(pc) =	sbr.ind lr, $3  }
0x3a: {  	_ = 	snop  }
0x3b: {  	_ = 	snop  }
0x3c: {  	p2 =	seq.s32 s10, $0x1;
	s10 =	sld [smem:$0x3FAF]  }
0x3d: {  	_ =	shalt  }
0x3e: {  	_ =	shalt  }
0x3f: {  	_ =	shalt  }
0x40: {  	_ =	shalt  }
0x41: {  	_ =	shalt  }
0x42: {  	_ =	shalt  }
0x43: {  	_ =	shalt  }
0x44: {  	_ =	shalt  }
0x45: {  	_ =	shalt  }
0x46: {  	_ =	shalt  }
0x47: {  	_ =	shalt  }
0x48: {  	_ =	shalt  }
0x49: {  	_ =	shalt  }
0x4a: {  	_ =	shalt  }
0x4b: {  	_ =	shalt  }
0x4c: {  	_ =	shalt  }
0x4d: {  	_ =	shalt  }
0x4e: {  	_ =	shalt  }
0x4f: {  	_ =	shalt  }
0x50: {  	_ =	shalt  }
0x51: {  	_ =	shalt  }
0x52: {  	_ =	shalt  }
0x53: {  	_ =	shalt  }
0x54: {  	_ =	shalt  }
0x55: {  	_ =	shalt  }
0x56: {  	_ =	shalt  }
0x57: {  	_ =	shalt  }
0x58: {  	_ =	shalt  }
0x59: {  	_ =	shalt  }
0x5a: {  	_ =	shalt  }
0x5b: {  	_ =	shalt  }
0x5c: {  	_ =	shalt  }
0x5d: {  	_ =	shalt  }
0x5e: {  	_ =	shalt  }
0x5f: {  	_ =	shalt  }
0x60: {  	_ =	shalt  }
0x61: {  	_ =	shalt  }
0x62: {  	_ =	shalt  }
0x63: {  	_ =	shalt  }
0x64: {  	_ =	shalt  }
0x65: {  	_ =	shalt  }
0x66: {  	_ =	shalt  }
0x67: {  	_ =	shalt  }
0x68: {  	_ =	shalt  }
0x69: {  	_ =	shalt  }
0x6a: {  	_ =	shalt  }
0x6b: {  	_ =	shalt  }
0x6c: {  	_ =	shalt  }
0x6d: {  	_ =	shalt  }
0x6e: {  	_ =	shalt  }
0x6f: {  	_ =	shalt  }
0x70: {  	_ =	shalt  }
0x71: {  	_ =	shalt  }
0x72: {  	_ =	shalt  }
0x73: {  	_ =	shalt  }
0x74: {  	_ =	shalt  }
0x75: {  	_ =	shalt  }
0x76: {  	_ =	shalt  }
0x77: {  	_ =	shalt  }
0x78: {  	_ =	shalt  }
0x79: {  	_ =	shalt  }
0x7a: {  	_ =	shalt  }
0x7b: {  	_ =	shalt  }
0x7c: {  	_ =	shalt  }
0x7d: {  	_ =	shalt  }
0x7e: {  	_ =	shalt  }
0x7f: {  	_ =	shalt  }
0x80: {  	_ =	shalt  }
0x81: {  	_ =	shalt  }
0x82: {  	_ =	shalt  }
0x83: {  	_ =	shalt  }
0x84: {  	_ =	shalt  }
0x85: {  	_ =	shalt  }
0x86: {  	_ =	shalt  }
0x87: {  	_ =	shalt  }
.Lfunc_end0:
.L_simem_size_0:
called_computation_lowered:
.L_overlay_start_0:
0x88: {  	s2 =	sld [smem:$0x3FD9]  }
0x89: {  	s3 =	sld [smem:$0x3FFE];
	_ =	sdelay $0x1  }
0x8a: {  	s1 =	srdreg.scid  }
0x8b: {  	s0 =	sand.u32 $0x1, s1  }
0x8c: {  	s17 =	sshll.u32 s0, $0xA;
	s2 =	sadd.s32 s3, s2  }
0x8d: {  	s2 =	sadd.s32 s2, s17  }
0x8e: {  	[smem:$0x3FBB] =	sst s2  }
0x8f: {  	_ = 	snop  }
0x90: {  	s2 =	sld [smem:$0x3FD0];
	(tm) =	ssettm $0x1  }
0x91: {  	s18 =	sld [smem:$0x3FFB];
	_ =	sdelay $0x3  }
0x92: {  	_ =	strace s18  }
0x93: {  	s3 =	sld [smem:$0x3FFC];
	_ =	sdelay $0x3  }
0x94: {  	_ =	strace s3  }
0x95: {  	s3 =	sld [smem:$0x3FFD];
	_ =	sdelay $0x3  }
0x96: {  	_ =	strace s3  }
0x97: {  	_ =	strace $0x8FFFFFFF  }
0x98: {  	s19 =	sld [smem:$0x3FDB];
	_ =	sdelay $0x1  }
0x99: {  	s4 =	simm.s32 $_scs_section_size  }
0x9a: {  	s5 =	simm.s32 $_size__tile_overlayer_lowered;
	s6 =	simm.s32 $_tile_overlayer_lowered  }
0x9b: {  	s22 =	simm.s32 $0x1BFF;
	s21 =	sshll.u32 s6, $0x1;
	s3 =	sadd.s32 s4, s19  }
0x9c: {  	s7 =	simm.s32 $0x0;
	s20 =	sshll.u32 s5, $0x1;
	s5 =	sadd.s32 s21, s3  }
0x9d: {  	[timem:s7], [sflag:s22] =	dma.local [hbm:s5], s20  }
0x9e: {  	_ =	swait.ge [sflag:s22], s20  }
0x9f: {  	s4 =	ssub.s32 $0x0, s20;
	[sflag:s22] =	ssyncset.done $0x0  }
0xa0: {  	[sflag:s22] =	ssyncadd.s32 s4;
	_ =	sdelay $0x1  }
0xa1: {  	s23 =	simm.s32 $0x1B8B  }
0xa2: {  	_ =	swait.ge [sflag:s23], $0x1  }
0xa3: {  	[sflag:s23] =	ssyncset.done $0x0  }
0xa4: {  	s25 =	simm.s32 $0x1B8E;
	s24 =	sld [smem:$0x3FFE];
	[sflag:s23] =	ssyncadd.s32 $0xFFFFFFFF  }
0xa5: {  	s26 =	simm.s32 $execute0_lowered;
	[smem:$0x3FD2] =	sst s25  }
0xa6: {  	s5 =	sshll.u32 s26, $0x1;
	_ =	strace $0x80000046;
	[dreg:$0x1] =	wrdreg $0xFFFFFFFF  }
0xa7: {  	s28 =	simm.s32 $_size_execute0_lowered;
	s3 =	sadd.s32 s3, s5;
	[dreg:$0x0] =	wrdreg $0x0  }
0xa8: {  	s5 =	sshll.u32 s28, $0x1;
	[dreg:$0x2] =	wrdreg s3  }
0xa9: {  	[dreg:$0x3] =	wrdreg s5  }
0xaa: {  	[dreg:$0x4] =	wrdreg $0xC0  }
0xab: {  	_ =	task [dreg:s7], $0x5FFFF  }
0xac: {  	[dreg:$0x1] =	wrdreg $0xFFFFFFFF  }
0xad: {  	[dreg:$0x0] =	wrdreg $0x60  }
0xae: {  	[dreg:$0x2] =	wrdreg s24  }
0xaf: {  	[dreg:$0x3] =	wrdreg s2  }
0xb0: {  	[dreg:$0x4] =	wrdreg $0x8800  }
0xb1: {  	[dreg:$0x5] =	wrdreg $0x9  }
0xb2: {  	_ =	task.clear_ibuf [dreg:s7], $0x6FFFF;
	_ =	strace $0x90000046  }
0xb3: {  	s29 =	simm.s32 $0x9;
	_ =	strace $0x80000048  }
0xb4: {  	_ =	swait.ge [sflag:s29], $0x1  }
0xb5: {  	[sflag:s29] =	ssyncadd.s32 $0xFFFFFFFF  }
0xb6: {  	_ =	strace $0x90000048  }
0xb7: {  	_ =	sfence  }
0xb8: {  	s30 =	sld [smem:$0x0];
	_ =	sdelay $0x2  }
0xb9: {  	s31 =	sshll.u32 s1, $0xD;
	s1 =	sshrl.u32 s1, $0x2  }
0xba: {  	s3 =	sand.u32 $0x4000, s31;
	s1 =	sadd.s32 s1, s30  }
0xbb: {  	s0 =	sor.u32 s3, s0;
	s1 =	sshll.u32 s1, $0x11  }
0xbc: {  	s0 =	sor.u32 s1, s0  }
0xbd: {  	s0 =	sadd.s32 $0x8F2B, s0  }
0xbe: {  	[sflag:s0] =	ssyncadd.remote.s32 $0x1  }
0xbf: {  	_ =	sfence.sel $0xFFFF  }
0xc0: {  	[dreg:$0x0] =	wrdreg $0xFFFFFFFF;
	(pc) =	sbr.abs _section_cstart, $3  }
0xc1: {  	[dreg:$0x1] =	wrdreg $0xFFFFFFFF  }
0xc2: {  	_ =	task.clear_ibuf [dreg:s7], $0x2FFFF;
	_ =	strace $0x9FFFFFFF  }
0xc3: {  	(tm) =	ssettm $0x7FFFFFFF  }
tec
execute0_lowered:
.L_overlay_start_1:
0x0: {  	(tag) =	ssettag $0x1  }
0x1: {  	s4 =	rddreg [dreg:$0x0]  }
0x2: {  	s0 =	srdreg.scid;
	s9 =	rddreg [dreg:$0x1]  }
0x3: {  	s2 =	rddreg [dreg:$0x2];
	s5 =	sand.u32 $0x1, s0  }
0x4: {  	s0 =	stileid.u32;
	s6 =	smul.u32 $0x14000, s5  }
0x5: {  	s1 =	rddreg [dreg:$0x3];
	s3 =	simm.s32 $0x0;
	s7 =	smul.u32 $0x1400, s0  }
0x6: {  	[smem:$0x7FF] =	sst s3;
	s29 =	smul.u32 $0xA000, s0  }
0x7: {  	s16 =	simm.s32 $0x0;
	_ =	strace $0x80000047;
	s8 =	smul.u32 $0x2800, s0  }
0x8: {  	s30 =	ssub.s32 $0x2, s5;
	s10 =	smul.u32 $0x28000, s5;
	s14 =	sshll.u32 s0, $0x6  }
0x9: {  	s31 =	sshrl.u32 s30, $0x1;
	s14 =	sor.u32 $0x1C01, s14;
	s6 =	sadd.s32 s7, s6  }
0xa: {  	s7 =	sshrl.u32 s29, $0x2;
	s12 =	ssub.s32 s30, s31;
	s10 =	sadd.s32 s8, s10  }
0xb: {  	s6 =	sshrl.u32 s6, $0x3;
	s13 =	sadd.s32 s7, s2;
	s10 =	sshrl.u32 s10, $0x3  }
0xc: {  	s11 =	sadd.s32 s6, s4;
	s4 =	sadd.s32 s8, s2;
	s5 =	sadd.s32 $0x800, s13  }
0xd: {  	s6 =	sadd.s32 $0x1000, s13;
	s7 =	sadd.s32 $0x1800, s13;
	s8 =	sadd.s32 $0x2000, s13  }
0xe: {  	s9 =	sadd.s32 s9, s10;
	s10 =	smax.u32 s12, $0x1;
	s12 =	simm.s32 $0x80  }
0xf: {  	v0 =	vimm.f32 $1.000000000e+00;
	v1 =	vimm.f32 $0.0e+00;
	s13 =	simm.s32 $0x1;
	s11 =	sadd.s32 $0x2A00, s11;
	s15 =	sshrl.u32 s4, $0x3  }
.LBB2_1:
0x10: {  	s17 =	simm.s32 $0x0  }
.LBB2_2:
0x11: {  	p0 =	sne.s32 s17, $0x1FC0  }
.Ltmp0:
0x12: {  	_ = 	snop;
	(pc) =	sbr.rel @p0 .LBB2_2-.Ltmp0, $3  }
0x13: {  	_ =	sdelay $0x1  }
0x14: {  	s18 =	sshra.s32 s17, $0x2  }
0x15: {  	s17 =	sadd.s32 $0x40, s17;
	[tilespmem:s18+$0x80] =	vst v0  }
0x16: {  	s17 =	simm.s32 $0x40;
	s18 =	simm.s32 $0x0  }
.LBB2_4:
0x17: {  	p0 =	sne.s32 s17, $0x1FC0;
	[tilespmem:s18+$0x80] =	vst v1;
	s18 =	smov.u32 s17;
	s17 =	sadd.s32 $0x40, s17  }
.Ltmp1:
0x18: {  	(pc) =	sbr.rel @p0 .LBB2_4-.Ltmp1, $2  }
0x19: {  	_ =	sdelay $0x2  }
0x1a: {  	s18 =	sshra.s32 s18, $0x2  }
0x1b: {  	[tilespmem:s18+$0x80] =	vst v1  }
0x1c: {  	[spmem:s4] =	stream.linear.scatter [tilespmem:s12], [sflag:$0x1], $0x800, $0x38;
	[tilespmem:$0x3080] =	vst v63  }
0x1d: {  	_ =	swait.ge [sflag:s13], $0x800  }
0x1e: {  	[sflag:s13] =	ssyncset.done $0x0  }
0x1f: {  	[sflag:s13] =	ssyncadd.s32 $0xFFFFF800  }
0x20: {  	[spmem:s5] =	stream.linear.scatter [tilespmem:s12], [sflag:$0x1], $0x800, $0x38;
	[tilespmem:$0x3080] =	vst v63  }
0x21: {  	_ =	swait.ge [sflag:s13], $0x800  }
0x22: {  	[sflag:s13] =	ssyncset.done $0x0  }
0x23: {  	[sflag:s13] =	ssyncadd.s32 $0xFFFFF800  }
0x24: {  	[spmem:s6] =	stream.linear.scatter [tilespmem:s12], [sflag:$0x1], $0x800, $0x38;
	[tilespmem:$0x3080] =	vst v63  }
0x25: {  	_ =	swait.ge [sflag:s13], $0x800  }
0x26: {  	[sflag:s13] =	ssyncset.done $0x0  }
0x27: {  	[sflag:s13] =	ssyncadd.s32 $0xFFFFF800  }
0x28: {  	[spmem:s7] =	stream.linear.scatter [tilespmem:s12], [sflag:$0x1], $0x800, $0x38;
	[tilespmem:$0x3080] =	vst v63  }
0x29: {  	_ =	swait.ge [sflag:s13], $0x800  }
0x2a: {  	[sflag:s13] =	ssyncset.done $0x0  }
0x2b: {  	[sflag:s13] =	ssyncadd.s32 $0xFFFFF800  }
0x2c: {  	[spmem:s8] =	stream.linear.scatter [tilespmem:s12], [sflag:$0x1], $0x800, $0x38;
	[tilespmem:$0x3080] =	vst v63  }
0x2d: {  	_ =	swait.ge [sflag:s13], $0x800  }
0x2e: {  	[sflag:s13] =	ssyncset.done $0x0  }
0x2f: {  	s17 =	simm.s32 $0x40;
	s18 =	simm.s32 $0x0;
	[sflag:s13] =	ssyncadd.s32 $0xFFFFF800  }
.LBB2_6:
0x30: {  	p0 =	sne.s32 s17, $0x1FC0;
	[tilespmem:s18+$0x80] =	vst v0;
	s18 =	smov.u32 s17;
	s17 =	sadd.s32 $0x40, s17  }
.Ltmp2:
0x31: {  	(pc) =	sbr.rel @p0 .LBB2_6-.Ltmp2, $2  }
0x32: {  	_ =	sdelay $0x2  }
0x33: {  	s18 =	sshra.s32 s18, $0x2  }
0x34: {  	[tilespmem:s18+$0x80] =	vst v0  }
0x35: {  	s17 =	sadd.s32 $0x0, s11;
	[bflag:$0x0] =	sbarrier.arrive $0xFFFF  }
0x36: {  	[tilespmem:s3], [sflag:$0x1] =	stream.linear.gather [hbm4b:s17+s3], $0x80, $0x38;
	[tilespmem:$0x3080] =	vst v63  }
0x37: {  	_ =	swait.ge [sflag:s13], $0x80  }
0x38: {  	[sflag:s13] =	ssyncset.done $0x0  }
0x39: {  	[sflag:s13] =	ssyncadd.s32 $0xFFFFFF80  }
0x3a: {  	[spmem:s2] =	stream.indirect.scatter.add.f32 [tilespmem:s12], [sflag:$0x1], $0x10, s3, s12, $0xb8;
	[tilespmem:$0x3080] =	vst v63  }
0x3b: {  	_ =	swait.ge [sflag:s13], $0x800  }
0x3c: {  	s18 =	simm.s32 $0x20;
	s17 =	simm.s32 $0x10;
	[sflag:s13] =	ssyncset.done $0x0  }
.LBB2_8:
0x3d: {  	s19 =	sadd.s32 s17, s11  }
0x3e: {  	[sflag:s13] =	ssyncadd.s32 $0xFFFFF800;
	s17 =	smov.u32 s18;
	s20 =	sadd.s32 $0x10, s18  }
0x3f: {  	[tilespmem:s3], [sflag:$0x1] =	stream.linear.gather [hbm4b:s19+s3], $0x80, $0x38;
	[tilespmem:$0x3080] =	vst v63  }
0x40: {  	p0 =	sne.s32 s18, $0x270;
	_ =	swait.ge [sflag:s13], $0x80  }
.Ltmp3:
0x41: {  	[sflag:s13] =	ssyncset.done $0x0;
	(pc) =	sbr.rel @p0 .LBB2_8-.Ltmp3, $4  }
0x42: {  	[sflag:s13] =	ssyncadd.s32 $0xFFFFFF80  }
0x43: {  	[spmem:s2] =	stream.indirect.scatter.add.f32 [tilespmem:s12], [sflag:$0x1], $0x10, s3, s12, $0xb8;
	[tilespmem:$0x3080] =	vst v63  }
0x44: {  	_ =	swait.ge [sflag:s13], $0x800  }
0x45: {  	s18 =	smov.u32 s20;
	[sflag:s13] =	ssyncset.done $0x0  }
0x46: {  	s17 =	sadd.s32 s17, s11;
	[sflag:s13] =	ssyncadd.s32 $0xFFFFF800  }
0x47: {  	[tilespmem:s3], [sflag:$0x1] =	stream.linear.gather [hbm4b:s17+s3], $0x80, $0x38;
	[tilespmem:$0x3080] =	vst v63  }
0x48: {  	_ =	swait.ge [sflag:s13], $0x80  }
0x49: {  	[sflag:s13] =	ssyncset.done $0x0  }
0x4a: {  	[sflag:s13] =	ssyncadd.s32 $0xFFFFFF80  }
0x4b: {  	[spmem:s2] =	stream.indirect.scatter.add.f32 [tilespmem:s12], [sflag:$0x1], $0x10, s3, s12, $0xb8;
	[tilespmem:$0x3080] =	vst v63  }
0x4c: {  	_ =	swait.ge [sflag:s13], $0x800  }
0x4d: {  	s16 =	sadd.s32 $0x1, s16;
	[sflag:s13] =	ssyncset.done $0x0  }
0x4e: {  	p0 =	sne.s32 s16, s10;
	[sflag:s13] =	ssyncadd.s32 $0xFFFFF800  }
.Ltmp4:
0x4f: {  	[bflag:$0x0] =	sbarrier.arrive $0xFFFF;
	(pc) =	sbr.rel @p0 .LBB2_1-.Ltmp4, $4  }
0x50: {  	[hbm:s9], [sflag:s14] =	dma.local [spmem:s15], $0x500  }
0x51: {  	_ =	swait.ge [sflag:s13], $0x500  }
0x52: {  	[sflag:s13] =	ssyncset.done $0x0  }
0x53: {  	[sflag:s13] =	ssyncadd.s32 $0xFFFFFB00  }
0x54: {  	_ =	sfence.sel $0x180000  }
0x55: {  	[bflag:$0x0] =	sbarrier.arrive $0xFFFF  }
0x56: {  	p0 =	sne.s32 s0, $0x0;
	_ =	strace $0x90000047  }
0x57: {  	s0 =	sadd.s32 @!p0 $0x100000, s1;
	[bflag:$0x2] =	sbarrier.arrive $0xFFFF  }
0x58: {  	[sflag:s0] =	ssyncadd.tile.s32 @!p0 $0x1;
	_ =	shalt  }
.Lfunc_end2:
_tile_overlayer_lowered:
.L_overlay_start_2:
0x59: {  	(tag) =	ssettag $0x2  }
0x5a: {  	s0 =	rddreg [dreg:$0x0];
	s2 =	stileid.u32  }
0x5b: {  	s1 =	rddreg [dreg:$0x1];
	p0 =	sne.s32 s2, $0x0  }
0x5c: {  	s3 =	rddreg [dreg:$0x2];
	[bflag:$0x3] =	sbarrier.arrive $0xFFFF;
	s2 =	simm.s32 @!p0 $0x1C01  }
0x5d: {  	[timem:s3], [sflag:s2] =	dma.local @!p0 [hbm:s0], s1  }
0x5e: {  	s0 =	simm.s32 @!p0 $0x1  }
0x5f: {  	_ =	swait.ge @!p0 [sflag:s0], s1  }
0x60: {  	s1 =	ssub.s32 @!p0 $0x0, s1;
	[sflag:s0] =	ssyncset.done @!p0 $0x0  }
0x61: {  	[sflag:s0] =	ssyncadd.s32 @!p0 s1  }
0x62: {  	[bflag:$0x3] =	sbarrier.arrive $0xFFFF  }
0x63: {  	_ =	shalt  }

</sc_bundles>
